<compile_context>
chip_gen: v7x
topology: tpu7x:2x2x1
jax: 0.10.2.dev20260603
libtpu: 0.0.44.dev20260713+nightly
codegen_flags: <defaults>
</compile_context>

<pallas_src>
import functools

import jax
import jax.numpy as jnp
from jax import lax
from jax.experimental import pallas as pl
from jax.experimental.pallas import tpu as pltpu
from jax.experimental.pallas import tpu_sc as plsc

EMBED_DIM = 32
NUM_CORES = 2
NUM_SUBCORES = 16
NUM_WORKERS = NUM_CORES * NUM_SUBCORES
CHUNK = 320
IDS_BUFS = 6
GID_BUFS = 5
ROW_BUFS = 5


def _make_kernel(n_total: int, vocab: int):
  per_w = n_total // NUM_WORKERS
  n_chunks = per_w // CHUNK
  assert n_chunks >= 8 and per_w % CHUNK == 0 and CHUNK % 8 == 0
  stage_ch = (vocab // NUM_SUBCORES) // 8 * 8
  stage_last = vocab - (NUM_SUBCORES - 1) * stage_ch
  mesh = plsc.VectorSubcoreMesh(core_axis_name="c", subcore_axis_name="s")

  @functools.partial(
      pl.kernel,
      mesh=mesh,
      out_type=jax.ShapeDtypeStruct((n_total, EMBED_DIM), jnp.float32),
      scratch_types=[
          pltpu.VMEM_SHARED((vocab,), jnp.int32),
          pltpu.VMEM((IDS_BUFS * CHUNK,), jnp.int32),
          pltpu.VMEM((GID_BUFS * CHUNK,), jnp.int32),
          pltpu.VMEM((ROW_BUFS * CHUNK, EMBED_DIM), jnp.float32),
          pltpu.SemaphoreType.DMA,
          pltpu.SemaphoreType.DMA,
          pltpu.SemaphoreType.DMA,
          pltpu.SemaphoreType.DMA,
      ],
      compiler_params=pltpu.CompilerParams(use_tc_tiling_on_sc=False),
  )
  def k(ids_hbm, remap_hbm, emb_hbm, out_hbm, remap_sh, ids_v, gid_v,
        rows_v, sem_a, sem_g1, sem_g2, sem_s):
    sid = lax.axis_index("s")
    wid = sid * NUM_CORES + lax.axis_index("c")
    base = wid * per_w

    @pl.when(sid < NUM_SUBCORES - 1)
    def _():
      off = sid * stage_ch
      pltpu.sync_copy(remap_hbm.at[pl.ds(off, stage_ch)],
                      remap_sh.at[pl.ds(off, stage_ch)])

    @pl.when(sid == NUM_SUBCORES - 1)
    def _():
      off = (NUM_SUBCORES - 1) * stage_ch
      pltpu.sync_copy(remap_hbm.at[pl.ds(off, stage_last)],
                      remap_sh.at[pl.ds(off, stage_last)])

    plsc.subcore_barrier()

    def ids_sl(j):
      return ids_v.at[pl.ds(lax.rem(j, IDS_BUFS) * CHUNK, CHUNK)]

    def gid_sl(j):
      return gid_v.at[pl.ds(lax.rem(j, GID_BUFS) * CHUNK, CHUNK)]

    def rows_sl(j):
      return rows_v.at[pl.ds(lax.rem(j, ROW_BUFS) * CHUNK, CHUNK)]

    def a(j):
      ids_hbm_sl = ids_hbm.at[pl.ds(base + j * CHUNK, CHUNK)]
      return pltpu.make_async_copy(ids_hbm_sl, ids_sl(j), sem_a)

    def g1(j):
      return pltpu.make_async_copy(remap_sh.at[ids_sl(j)], gid_sl(j), sem_g1)

    def g2(j):
      return pltpu.make_async_copy(emb_hbm.at[gid_sl(j)], rows_sl(j), sem_g2)

    def st(j):
      out_sl = out_hbm.at[pl.ds(base + j * CHUNK, CHUNK)]
      return pltpu.make_async_copy(rows_sl(j), out_sl, sem_s)

    a(0).start()
    a(1).start()
    a(2).start()
    a(3).start()
    a(0).wait()
    g1(0).start()
    a(1).wait()
    g1(1).start()
    g1(0).wait()
    g2(0).start()
    g1(1).wait()
    g2(1).start()
    a(4).start()
    a(2).wait()
    g1(2).start()
    g1(2).wait()
    g2(2).start()

    a(5).start()
    a(3).wait()
    g1(3).start()
    g2(0).wait()
    st(0).start()
    g1(3).wait()
    g2(3).start()
    a(6).start()
    a(4).wait()
    g1(4).start()
    g2(1).wait()
    st(1).start()
    g1(4).wait()
    g2(4).start()

    def body(j, carry):
      a(j + 5).start()
      a(j + 3).wait()
      g1(j + 3).start()
      g2(j).wait()
      st(j).start()
      g1(j + 3).wait()
      st(j - 2).wait()
      g2(j + 3).start()
      return carry

    lax.fori_loop(2, n_chunks - 5, body, 0)

    m = n_chunks - 5
    a(m + 3).wait()
    g1(m + 3).start()
    g2(m).wait()
    st(m).start()
    g1(m + 3).wait()
    st(m - 2).wait()
    g2(m + 3).start()
    a(m + 4).wait()
    g1(m + 4).start()
    g2(m + 1).wait()
    st(m + 1).start()
    g1(m + 4).wait()
    st(m - 1).wait()
    g2(m + 4).start()
    g2(m + 2).wait()
    st(m + 2).start()
    g2(m + 3).wait()
    st(m + 3).start()
    g2(m + 4).wait()
    st(m + 4).start()
    st(m).wait()
    st(m + 1).wait()
    st(m + 2).wait()
    st(m + 3).wait()
    st(m + 4).wait()

  return k


def kernel(client_ids, item_ids, item_id2graph_id, item_embeddings):
  del client_ids
  batch, seq_len = item_ids.shape
  n_total = batch * seq_len
  vocab = item_id2graph_id.shape[0]
  flat_ids = item_ids.reshape(n_total)
  out = _make_kernel(n_total, vocab)(flat_ids, item_id2graph_id,
                                     item_embeddings)
  return out.reshape(batch, seq_len, EMBED_DIM)

# --- scband reference (transcript-rebuilt; emitter-appended) ---
"""Pipeline reference for scband-gnnpretrained-client-item-encoder-12309376270427 (READ-ONLY COPY).

The authoritative reference and input builder live on the scoring server;
editing this copy changes nothing except your own understanding.
"""

import jax, jax.numpy as jnp
import numpy as np

VOCAB = 1000000
EMBED_DIM = 32
BATCH = 4096
SEQ_LEN = 200

def setup_inputs(seed: int = 0) -> dict:
    key = jax.random.key(seed)
    k1, k2, k3, k4 = jax.random.split(key, 4)
    client_ids = jax.random.randint(k1, (BATCH,), 0, VOCAB, dtype=jnp.int64 if jax.config.jax_enable_x64 else jnp.int32)
    item_ids = jax.random.randint(k2, (BATCH, SEQ_LEN), 0, VOCAB, dtype=jnp.int64 if jax.config.jax_enable_x64 else jnp.int32)
    item_id2graph_id = jax.random.randint(k3, (VOCAB,), 0, VOCAB, dtype=jnp.int64 if jax.config.jax_enable_x64 else jnp.int32)
    item_embeddings = jax.random.normal(k4, (VOCAB, EMBED_DIM), dtype=jnp.float32)
    return {
        "client_ids": client_ids,
        "item_ids": item_ids,
        "item_id2graph_id": item_id2graph_id,
        "item_embeddings": item_embeddings,
    }

def reference(client_ids, item_ids, item_id2graph_id, item_embeddings):
    # graph_item_ids = self.item_id2graph_id[item_ids]
    graph_item_ids = jnp.take(item_id2graph_id, item_ids, axis=0)
    # return self.item_embeddings[graph_item_ids]
    return jnp.take(item_embeddings, graph_item_ids, axis=0)

if __name__ == "__main__":
    import jax
    _d = setup_inputs()
    print(jax.jit(kernel)(*tuple(_d.values())))

</pallas_src>

<mosaic_0001>
#map = affine_map<(d0, d1) -> (0)>
#map1 = affine_map<(d0, d1) -> (0, 0)>
module attributes {stable_mosaic.version = 14 : i64} {
  func.func @k(%arg0: i32, %arg1: i32, %arg2: memref<819200xi32, #tpu.memory_space<hbm>>, %arg3: memref<1000000xi32, #tpu.memory_space<hbm>>, %arg4: memref<1000000x32xf32, #tpu.memory_space<hbm>>, %arg5: memref<819200x32xf32, #tpu.memory_space<hbm>>, %arg6: memref<1000000xi32, #tpu.memory_space<vmem_shared>>, %arg7: memref<1920xi32, #tpu.memory_space<vmem>>, %arg8: memref<1600xi32, #tpu.memory_space<vmem>>, %arg9: memref<1600x32xf32, #tpu.memory_space<vmem>>, %arg10: memref<!tpu.dma_semaphore, #tpu.memory_space<semaphore_mem>>, %arg11: memref<!tpu.dma_semaphore, #tpu.memory_space<semaphore_mem>>, %arg12: memref<!tpu.dma_semaphore, #tpu.memory_space<semaphore_mem>>, %arg13: memref<!tpu.dma_semaphore, #tpu.memory_space<semaphore_mem>>) attributes {dimension_semantics = [#tpu.dimension_semantics<core_parallel>, #tpu.dimension_semantics<subcore_parallel>], iteration_bounds = array<i64: 2, 16>, scalar_prefetch = 0 : i64, scratch_operands = 8 : i64, tpu.core_type = #tpu.core_type<sc_vector_subcore>, window_params = [{transform_indices = #map}, {transform_indices = #map}, {transform_indices = #map1}, {transform_indices = #map1}]} {
    %mul3A = arith.constant 2 : i32
    %mul3A_0 = arith.muli %arg1, %mul3A : i32
    %add3A = arith.addi %mul3A_0, %arg0 : i32
    %mul3A_1 = arith.constant 25600 : i32
    %mul3A_2 = arith.muli %add3A, %mul3A_1 : i32
    %lt3A = arith.constant 15 : i32
    %lt3A_3 = arith.cmpi slt, %arg1, %lt3A : i32
    %convert_element_type3A = arith.extui %lt3A_3 : i1 to i32
    %cond3A = arith.constant 0 : i32
    %cond3A_4 = arith.cmpi ne, %convert_element_type3A, %cond3A : i32
    scf.if %cond3A_4 {
      %mul3A_795 = arith.constant 62496 : i32
      %mul3A_796 = arith.muli %arg1, %mul3A_795 : i32
      "tpu.region"() ({
        %run_scoped3A = tpu.sem_alloc : memref<!tpu.dma_semaphore, #tpu.memory_space<semaphore_mem>>
        %dma_start3A_797 = tpu.memref_slice %arg6[%mul3A_796] : memref<1000000xi32, #tpu.memory_space<vmem_shared>> -> memref<62496xi32, #tpu.memory_space<vmem_shared>>
        %dma_start3A_798 = tpu.memref_slice %arg3[%mul3A_796] : memref<1000000xi32, #tpu.memory_space<hbm>> -> memref<62496xi32, #tpu.memory_space<hbm>>
        tpu.enqueue_dma source(%dma_start3A_798 : memref<62496xi32, #tpu.memory_space<hbm>>) target(%dma_start3A_797 : memref<62496xi32, #tpu.memory_space<vmem_shared>>) target_semaphore(%run_scoped3A : memref<!tpu.dma_semaphore, #tpu.memory_space<semaphore_mem>>)
        %dma_wait3A_799 = tpu.memref_slice %arg6[%mul3A_796] : memref<1000000xi32, #tpu.memory_space<vmem_shared>> -> memref<62496xi32, #tpu.memory_space<vmem_shared>>
        %dma_wait3A_800 = tpu.memref_slice %arg3[%mul3A_796] : memref<1000000xi32, #tpu.memory_space<hbm>> -> memref<62496xi32, #tpu.memory_space<hbm>>
        tpu.wait_dma2 semaphore(%run_scoped3A : memref<!tpu.dma_semaphore, #tpu.memory_space<semaphore_mem>>) src(%dma_wait3A_800 : memref<62496xi32, #tpu.memory_space<hbm>>) dst(%dma_wait3A_799 : memref<62496xi32, #tpu.memory_space<vmem_shared>>)
        tpu.yield
      }) : () -> ()
    } else {
    }
    %eq3A = arith.constant 15 : i32
    %eq3A_5 = arith.cmpi eq, %arg1, %eq3A : i32
    %convert_element_type3A_6 = arith.extui %eq3A_5 : i1 to i32
    %cond3A_7 = arith.constant 0 : i32
    %cond3A_8 = arith.cmpi ne, %convert_element_type3A_6, %cond3A_7 : i32
    scf.if %cond3A_8 {
      "tpu.region"() ({
        %run_scoped3A = tpu.sem_alloc : memref<!tpu.dma_semaphore, #tpu.memory_space<semaphore_mem>>
        %dma_start3A_795 = arith.constant 937440 : i32
        %dma_start3A_796 = tpu.memref_slice %arg6[%dma_start3A_795] : memref<1000000xi32, #tpu.memory_space<vmem_shared>> -> memref<62560xi32, #tpu.memory_space<vmem_shared>>
        %dma_start3A_797 = arith.constant 937440 : i32
        %dma_start3A_798 = tpu.memref_slice %arg3[%dma_start3A_797] : memref<1000000xi32, #tpu.memory_space<hbm>> -> memref<62560xi32, #tpu.memory_space<hbm>>
        tpu.enqueue_dma source(%dma_start3A_798 : memref<62560xi32, #tpu.memory_space<hbm>>) target(%dma_start3A_796 : memref<62560xi32, #tpu.memory_space<vmem_shared>>) target_semaphore(%run_scoped3A : memref<!tpu.dma_semaphore, #tpu.memory_space<semaphore_mem>>)
        %dma_wait3A_799 = arith.constant 937440 : i32
        %dma_wait3A_800 = tpu.memref_slice %arg6[%dma_wait3A_799] : memref<1000000xi32, #tpu.memory_space<vmem_shared>> -> memref<62560xi32, #tpu.memory_space<vmem_shared>>
        %dma_wait3A_801 = arith.constant 937440 : i32
        %dma_wait3A_802 = tpu.memref_slice %arg3[%dma_wait3A_801] : memref<1000000xi32, #tpu.memory_space<hbm>> -> memref<62560xi32, #tpu.memory_space<hbm>>
        tpu.wait_dma2 semaphore(%run_scoped3A : memref<!tpu.dma_semaphore, #tpu.memory_space<semaphore_mem>>) src(%dma_wait3A_802 : memref<62560xi32, #tpu.memory_space<hbm>>) dst(%dma_wait3A_800 : memref<62560xi32, #tpu.memory_space<vmem_shared>>)
        tpu.yield
      }) : () -> ()
    } else {
    }
    %barrier3A = arith.constant 0 : index
    tpu.barrier barrier_id(%barrier3A)
    %add3A_9 = arith.constant 0 : i32
    %add3A_10 = arith.addi %mul3A_2, %add3A_9 : i32
    %rem3A = arith.constant 0 : i32
    %rem3A_11 = arith.constant 6 : i32
    %rem3A_12 = arith.remsi %rem3A, %rem3A_11 : i32
    %mul3A_13 = arith.constant 320 : i32
    %mul3A_14 = arith.muli %rem3A_12, %mul3A_13 : i32
    %dma_start3A = tpu.memref_slice %arg7[%mul3A_14] : memref<1920xi32, #tpu.memory_space<vmem>> -> memref<320xi32, #tpu.memory_space<vmem>>
    %dma_start3A_15 = tpu.memref_slice %arg2[%add3A_10] : memref<819200xi32, #tpu.memory_space<hbm>> -> memref<320xi32, #tpu.memory_space<hbm>>
    %dma_start3A_16 = tpu.memref_slice %arg7[%mul3A_14] : memref<1920xi32, #tpu.memory_space<vmem>> -> memref<320xi32, #tpu.memory_space<vmem>>
    %dma_start3A_17 = tpu.memref_slice %arg2[%add3A_10] : memref<819200xi32, #tpu.memory_space<hbm>> -> memref<320xi32, #tpu.memory_space<hbm>>
    tpu.enqueue_dma source(%dma_start3A_17 : memref<320xi32, #tpu.memory_space<hbm>>) target(%dma_start3A_16 : memref<320xi32, #tpu.memory_space<vmem>>) target_semaphore(%arg10 : memref<!tpu.dma_semaphore, #tpu.memory_space<semaphore_mem>>)
    %add3A_18 = arith.constant 320 : i32
    %add3A_19 = arith.addi %mul3A_2, %add3A_18 : i32
    %rem3A_20 = arith.constant 1 : i32
    %rem3A_21 = arith.constant 6 : i32
    %rem3A_22 = arith.remsi %rem3A_20, %rem3A_21 : i32
    %mul3A_23 = arith.constant 320 : i32
    %mul3A_24 = arith.muli %rem3A_22, %mul3A_23 : i32
    %dma_start3A_25 = tpu.memref_slice %arg7[%mul3A_24] : memref<1920xi32, #tpu.memory_space<vmem>> -> memref<320xi32, #tpu.memory_space<vmem>>
    %dma_start3A_26 = tpu.memref_slice %arg2[%add3A_19] : memref<819200xi32, #tpu.memory_space<hbm>> -> memref<320xi32, #tpu.memory_space<hbm>>
    %dma_start3A_27 = tpu.memref_slice %arg7[%mul3A_24] : memref<1920xi32, #tpu.memory_space<vmem>> -> memref<320xi32, #tpu.memory_space<vmem>>
    %dma_start3A_28 = tpu.memref_slice %arg2[%add3A_19] : memref<819200xi32, #tpu.memory_space<hbm>> -> memref<320xi32, #tpu.memory_space<hbm>>
    tpu.enqueue_dma source(%dma_start3A_28 : memref<320xi32, #tpu.memory_space<hbm>>) target(%dma_start3A_27 : memref<320xi32, #tpu.memory_space<vmem>>) target_semaphore(%arg10 : memref<!tpu.dma_semaphore, #tpu.memory_space<semaphore_mem>>)
    %add3A_29 = arith.constant 640 : i32
    %add3A_30 = arith.addi %mul3A_2, %add3A_29 : i32
    %rem3A_31 = arith.constant 2 : i32
    %rem3A_32 = arith.constant 6 : i32
    %rem3A_33 = arith.remsi %rem3A_31, %rem3A_32 : i32
    %mul3A_34 = arith.constant 320 : i32
    %mul3A_35 = arith.muli %rem3A_33, %mul3A_34 : i32
    %dma_start3A_36 = tpu.memref_slice %arg7[%mul3A_35] : memref<1920xi32, #tpu.memory_space<vmem>> -> memref<320xi32, #tpu.memory_space<vmem>>
    %dma_start3A_37 = tpu.memref_slice %arg2[%add3A_30] : memref<819200xi32, #tpu.memory_space<hbm>> -> memref<320xi32, #tpu.memory_space<hbm>>
    %dma_start3A_38 = tpu.memref_slice %arg7[%mul3A_35] : memref<1920xi32, #tpu.memory_space<vmem>> -> memref<320xi32, #tpu.memory_space<vmem>>
    %dma_start3A_39 = tpu.memref_slice %arg2[%add3A_30] : memref<819200xi32, #tpu.memory_space<hbm>> -> memref<320xi32, #tpu.memory_space<hbm>>
    tpu.enqueue_dma source(%dma_start3A_39 : memref<320xi32, #tpu.memory_space<hbm>>) target(%dma_start3A_38 : memref<320xi32, #tpu.memory_space<vmem>>) target_semaphore(%arg10 : memref<!tpu.dma_semaphore, #tpu.memory_space<semaphore_mem>>)
    %add3A_40 = arith.constant 960 : i32
    %add3A_41 = arith.addi %mul3A_2, %add3A_40 : i32
    %rem3A_42 = arith.constant 3 : i32
    %rem3A_43 = arith.constant 6 : i32
    %rem3A_44 = arith.remsi %rem3A_42, %rem3A_43 : i32
    %mul3A_45 = arith.constant 320 : i32
    %mul3A_46 = arith.muli %rem3A_44, %mul3A_45 : i32
    %dma_start3A_47 = tpu.memref_slice %arg7[%mul3A_46] : memref<1920xi32, #tpu.memory_space<vmem>> -> memref<320xi32, #tpu.memory_space<vmem>>
    %dma_start3A_48 = tpu.memref_slice %arg2[%add3A_41] : memref<819200xi32, #tpu.memory_space<hbm>> -> memref<320xi32, #tpu.memory_space<hbm>>
    %dma_start3A_49 = tpu.memref_slice %arg7[%mul3A_46] : memref<1920xi32, #tpu.memory_space<vmem>> -> memref<320xi32, #tpu.memory_space<vmem>>
    %dma_start3A_50 = tpu.memref_slice %arg2[%add3A_41] : memref<819200xi32, #tpu.memory_space<hbm>> -> memref<320xi32, #tpu.memory_space<hbm>>
    tpu.enqueue_dma source(%dma_start3A_50 : memref<320xi32, #tpu.memory_space<hbm>>) target(%dma_start3A_49 : memref<320xi32, #tpu.memory_space<vmem>>) target_semaphore(%arg10 : memref<!tpu.dma_semaphore, #tpu.memory_space<semaphore_mem>>)
    %add3A_51 = arith.constant 0 : i32
    %add3A_52 = arith.addi %mul3A_2, %add3A_51 : i32
    %rem3A_53 = arith.constant 0 : i32
    %rem3A_54 = arith.constant 6 : i32
    %rem3A_55 = arith.remsi %rem3A_53, %rem3A_54 : i32
    %mul3A_56 = arith.constant 320 : i32
    %mul3A_57 = arith.muli %rem3A_55, %mul3A_56 : i32
    %dma_wait3A = tpu.memref_slice %arg7[%mul3A_57] : memref<1920xi32, #tpu.memory_space<vmem>> -> memref<320xi32, #tpu.memory_space<vmem>>
    %dma_wait3A_58 = tpu.memref_slice %arg2[%add3A_52] : memref<819200xi32, #tpu.memory_space<hbm>> -> memref<320xi32, #tpu.memory_space<hbm>>
    %dma_wait3A_59 = tpu.memref_slice %arg7[%mul3A_57] : memref<1920xi32, #tpu.memory_space<vmem>> -> memref<320xi32, #tpu.memory_space<vmem>>
    %dma_wait3A_60 = tpu.memref_slice %arg2[%add3A_52] : memref<819200xi32, #tpu.memory_space<hbm>> -> memref<320xi32, #tpu.memory_space<hbm>>
    tpu.wait_dma2 semaphore(%arg10 : memref<!tpu.dma_semaphore, #tpu.memory_space<semaphore_mem>>) src(%dma_wait3A_60 : memref<320xi32, #tpu.memory_space<hbm>>) dst(%dma_wait3A_59 : memref<320xi32, #tpu.memory_space<vmem>>)
    %rem3A_61 = arith.constant 0 : i32
    %rem3A_62 = arith.constant 6 : i32
    %rem3A_63 = arith.remsi %rem3A_61, %rem3A_62 : i32
    %mul3A_64 = arith.constant 320 : i32
    %mul3A_65 = arith.muli %rem3A_63, %mul3A_64 : i32
    %rem3A_66 = arith.constant 0 : i32
    %rem3A_67 = arith.constant 5 : i32
    %rem3A_68 = arith.remsi %rem3A_66, %rem3A_67 : i32
    %mul3A_69 = arith.constant 320 : i32
    %mul3A_70 = arith.muli %rem3A_68, %mul3A_69 : i32
    %dma_start3A_71 = tpu.memref_slice %arg8[%mul3A_70] : memref<1600xi32, #tpu.memory_space<vmem>> -> memref<320xi32, #tpu.memory_space<vmem>>
    %dma_start3A_72 = tpu.memref_slice %arg7[%mul3A_65] : memref<1920xi32, #tpu.memory_space<vmem>> -> memref<320xi32, #tpu.memory_space<vmem>>
    %dma_start3A_73 = arith.constant 0 : i32
    %dma_start3A_74 = tpu.memref_slice %arg6[%dma_start3A_73] : memref<1000000xi32, #tpu.memory_space<vmem_shared>> -> memref<1000000xi32, #tpu.memory_space<vmem_shared>>
    tpu.enqueue_indirect_dma source(%dma_start3A_74 : memref<1000000xi32, #tpu.memory_space<vmem_shared>>) target(%dma_start3A_71 : memref<320xi32, #tpu.memory_space<vmem>>) offsets(%dma_start3A_72 : memref<320xi32, #tpu.memory_space<vmem>>) semaphore(%arg11 : memref<!tpu.dma_semaphore, #tpu.memory_space<semaphore_mem>>)
    %add3A_75 = arith.constant 320 : i32
    %add3A_76 = arith.addi %mul3A_2, %add3A_75 : i32
    %rem3A_77 = arith.constant 1 : i32
    %rem3A_78 = arith.constant 6 : i32
    %rem3A_79 = arith.remsi %rem3A_77, %rem3A_78 : i32
    %mul3A_80 = arith.constant 320 : i32
    %mul3A_81 = arith.muli %rem3A_79, %mul3A_80 : i32
    %dma_wait3A_82 = tpu.memref_slice %arg7[%mul3A_81] : memref<1920xi32, #tpu.memory_space<vmem>> -> memref<320xi32, #tpu.memory_space<vmem>>
    %dma_wait3A_83 = tpu.memref_slice %arg2[%add3A_76] : memref<819200xi32, #tpu.memory_space<hbm>> -> memref<320xi32, #tpu.memory_space<hbm>>
    %dma_wait3A_84 = tpu.memref_slice %arg7[%mul3A_81] : memref<1920xi32, #tpu.memory_space<vmem>> -> memref<320xi32, #tpu.memory_space<vmem>>
    %dma_wait3A_85 = tpu.memref_slice %arg2[%add3A_76] : memref<819200xi32, #tpu.memory_space<hbm>> -> memref<320xi32, #tpu.memory_space<hbm>>
    tpu.wait_dma2 semaphore(%arg10 : memref<!tpu.dma_semaphore, #tpu.memory_space<semaphore_mem>>) src(%dma_wait3A_85 : memref<320xi32, #tpu.memory_space<hbm>>) dst(%dma_wait3A_84 : memref<320xi32, #tpu.memory_space<vmem>>)
    %rem3A_86 = arith.constant 1 : i32
    %rem3A_87 = arith.constant 6 : i32
    %rem3A_88 = arith.remsi %rem3A_86, %rem3A_87 : i32
    %mul3A_89 = arith.constant 320 : i32
    %mul3A_90 = arith.muli %rem3A_88, %mul3A_89 : i32
    %rem3A_91 = arith.constant 1 : i32
    %rem3A_92 = arith.constant 5 : i32
    %rem3A_93 = arith.remsi %rem3A_91, %rem3A_92 : i32
    %mul3A_94 = arith.constant 320 : i32
    %mul3A_95 = arith.muli %rem3A_93, %mul3A_94 : i32
    %dma_start3A_96 = tpu.memref_slice %arg8[%mul3A_95] : memref<1600xi32, #tpu.memory_space<vmem>> -> memref<320xi32, #tpu.memory_space<vmem>>
    %dma_start3A_97 = tpu.memref_slice %arg7[%mul3A_90] : memref<1920xi32, #tpu.memory_space<vmem>> -> memref<320xi32, #tpu.memory_space<vmem>>
    %dma_start3A_98 = arith.constant 0 : i32
    %dma_start3A_99 = tpu.memref_slice %arg6[%dma_start3A_98] : memref<1000000xi32, #tpu.memory_space<vmem_shared>> -> memref<1000000xi32, #tpu.memory_space<vmem_shared>>
    tpu.enqueue_indirect_dma source(%dma_start3A_99 : memref<1000000xi32, #tpu.memory_space<vmem_shared>>) target(%dma_start3A_96 : memref<320xi32, #tpu.memory_space<vmem>>) offsets(%dma_start3A_97 : memref<320xi32, #tpu.memory_space<vmem>>) semaphore(%arg11 : memref<!tpu.dma_semaphore, #tpu.memory_space<semaphore_mem>>)
    %rem3A_100 = arith.constant 0 : i32
    %rem3A_101 = arith.constant 6 : i32
    %rem3A_102 = arith.remsi %rem3A_100, %rem3A_101 : i32
    %mul3A_103 = arith.constant 320 : i32
    %mul3A_104 = arith.muli %rem3A_102, %mul3A_103 : i32
    %rem3A_105 = arith.constant 0 : i32
    %rem3A_106 = arith.constant 5 : i32
    %rem3A_107 = arith.remsi %rem3A_105, %rem3A_106 : i32
    %mul3A_108 = arith.constant 320 : i32
    %mul3A_109 = arith.muli %rem3A_107, %mul3A_108 : i32
    %dma_wait3A_110 = tpu.memref_slice %arg8[%mul3A_109] : memref<1600xi32, #tpu.memory_space<vmem>> -> memref<320xi32, #tpu.memory_space<vmem>>
    %dma_wait3A_111 = tpu.memref_slice %arg7[%mul3A_104] : memref<1920xi32, #tpu.memory_space<vmem>> -> memref<320xi32, #tpu.memory_space<vmem>>
    %dma_wait3A_112 = arith.constant 0 : i32
    %dma_wait3A_113 = tpu.memref_slice %arg6[%dma_wait3A_112] : memref<1000000xi32, #tpu.memory_space<vmem_shared>> -> memref<1000000xi32, #tpu.memory_space<vmem_shared>>
    tpu.wait_indirect_dma semaphore(%arg11 : memref<!tpu.dma_semaphore, #tpu.memory_space<semaphore_mem>>) src(%dma_wait3A_113 : memref<1000000xi32, #tpu.memory_space<vmem_shared>>) dst(%dma_wait3A_110 : memref<320xi32, #tpu.memory_space<vmem>>)
    %rem3A_114 = arith.constant 0 : i32
    %rem3A_115 = arith.constant 5 : i32
    %rem3A_116 = arith.remsi %rem3A_114, %rem3A_115 : i32
    %mul3A_117 = arith.constant 320 : i32
    %mul3A_118 = arith.muli %rem3A_116, %mul3A_117 : i32
    %rem3A_119 = arith.constant 0 : i32
    %rem3A_120 = arith.constant 5 : i32
    %rem3A_121 = arith.remsi %rem3A_119, %rem3A_120 : i32
    %mul3A_122 = arith.constant 320 : i32
    %mul3A_123 = arith.muli %rem3A_121, %mul3A_122 : i32
    %dma_start3A_124 = arith.constant 0 : i32
    %dma_start3A_125 = tpu.memref_slice %arg9[%mul3A_123, %dma_start3A_124] : memref<1600x32xf32, #tpu.memory_space<vmem>> -> memref<320x32xf32, #tpu.memory_space<vmem>>
    %dma_start3A_126 = tpu.memref_slice %arg8[%mul3A_118] : memref<1600xi32, #tpu.memory_space<vmem>> -> memref<320xi32, #tpu.memory_space<vmem>>
    %dma_start3A_127 = arith.constant 0 : i32
    %dma_start3A_128 = arith.constant 0 : i32
    %dma_start3A_129 = tpu.memref_slice %arg4[%dma_start3A_127, %dma_start3A_128] : memref<1000000x32xf32, #tpu.memory_space<hbm>> -> memref<1000000x32xf32, #tpu.memory_space<hbm>>
    tpu.enqueue_indirect_dma source(%dma_start3A_129 : memref<1000000x32xf32, #tpu.memory_space<hbm>>) target(%dma_start3A_125 : memref<320x32xf32, #tpu.memory_space<vmem>>) offsets(%dma_start3A_126 : memref<320xi32, #tpu.memory_space<vmem>>) semaphore(%arg12 : memref<!tpu.dma_semaphore, #tpu.memory_space<semaphore_mem>>)
    %rem3A_130 = arith.constant 1 : i32
    %rem3A_131 = arith.constant 6 : i32
    %rem3A_132 = arith.remsi %rem3A_130, %rem3A_131 : i32
    %mul3A_133 = arith.constant 320 : i32
    %mul3A_134 = arith.muli %rem3A_132, %mul3A_133 : i32
    %rem3A_135 = arith.constant 1 : i32
    %rem3A_136 = arith.constant 5 : i32
    %rem3A_137 = arith.remsi %rem3A_135, %rem3A_136 : i32
    %mul3A_138 = arith.constant 320 : i32
    %mul3A_139 = arith.muli %rem3A_137, %mul3A_138 : i32
    %dma_wait3A_140 = tpu.memref_slice %arg8[%mul3A_139] : memref<1600xi32, #tpu.memory_space<vmem>> -> memref<320xi32, #tpu.memory_space<vmem>>
    %dma_wait3A_141 = tpu.memref_slice %arg7[%mul3A_134] : memref<1920xi32, #tpu.memory_space<vmem>> -> memref<320xi32, #tpu.memory_space<vmem>>
    %dma_wait3A_142 = arith.constant 0 : i32
    %dma_wait3A_143 = tpu.memref_slice %arg6[%dma_wait3A_142] : memref<1000000xi32, #tpu.memory_space<vmem_shared>> -> memref<1000000xi32, #tpu.memory_space<vmem_shared>>
    tpu.wait_indirect_dma semaphore(%arg11 : memref<!tpu.dma_semaphore, #tpu.memory_space<semaphore_mem>>) src(%dma_wait3A_143 : memref<1000000xi32, #tpu.memory_space<vmem_shared>>) dst(%dma_wait3A_140 : memref<320xi32, #tpu.memory_space<vmem>>)
    %rem3A_144 = arith.constant 1 : i32
    %rem3A_145 = arith.constant 5 : i32
    %rem3A_146 = arith.remsi %rem3A_144, %rem3A_145 : i32
    %mul3A_147 = arith.constant 320 : i32
    %mul3A_148 = arith.muli %rem3A_146, %mul3A_147 : i32
    %rem3A_149 = arith.constant 1 : i32
    %rem3A_150 = arith.constant 5 : i32
    %rem3A_151 = arith.remsi %rem3A_149, %rem3A_150 : i32
    %mul3A_152 = arith.constant 320 : i32
    %mul3A_153 = arith.muli %rem3A_151, %mul3A_152 : i32
    %dma_start3A_154 = arith.constant 0 : i32
    %dma_start3A_155 = tpu.memref_slice %arg9[%mul3A_153, %dma_start3A_154] : memref<1600x32xf32, #tpu.memory_space<vmem>> -> memref<320x32xf32, #tpu.memory_space<vmem>>
    %dma_start3A_156 = tpu.memref_slice %arg8[%mul3A_148] : memref<1600xi32, #tpu.memory_space<vmem>> -> memref<320xi32, #tpu.memory_space<vmem>>
    %dma_start3A_157 = arith.constant 0 : i32
    %dma_start3A_158 = arith.constant 0 : i32
    %dma_start3A_159 = tpu.memref_slice %arg4[%dma_start3A_157, %dma_start3A_158] : memref<1000000x32xf32, #tpu.memory_space<hbm>> -> memref<1000000x32xf32, #tpu.memory_space<hbm>>
    tpu.enqueue_indirect_dma source(%dma_start3A_159 : memref<1000000x32xf32, #tpu.memory_space<hbm>>) target(%dma_start3A_155 : memref<320x32xf32, #tpu.memory_space<vmem>>) offsets(%dma_start3A_156 : memref<320xi32, #tpu.memory_space<vmem>>) semaphore(%arg12 : memref<!tpu.dma_semaphore, #tpu.memory_space<semaphore_mem>>)
    %add3A_160 = arith.constant 1280 : i32
    %add3A_161 = arith.addi %mul3A_2, %add3A_160 : i32
    %rem3A_162 = arith.constant 4 : i32
    %rem3A_163 = arith.constant 6 : i32
    %rem3A_164 = arith.remsi %rem3A_162, %rem3A_163 : i32
    %mul3A_165 = arith.constant 320 : i32
    %mul3A_166 = arith.muli %rem3A_164, %mul3A_165 : i32
    %dma_start3A_167 = tpu.memref_slice %arg7[%mul3A_166] : memref<1920xi32, #tpu.memory_space<vmem>> -> memref<320xi32, #tpu.memory_space<vmem>>
    %dma_start3A_168 = tpu.memref_slice %arg2[%add3A_161] : memref<819200xi32, #tpu.memory_space<hbm>> -> memref<320xi32, #tpu.memory_space<hbm>>
    %dma_start3A_169 = tpu.memref_slice %arg7[%mul3A_166] : memref<1920xi32, #tpu.memory_space<vmem>> -> memref<320xi32, #tpu.memory_space<vmem>>
    %dma_start3A_170 = tpu.memref_slice %arg2[%add3A_161] : memref<819200xi32, #tpu.memory_space<hbm>> -> memref<320xi32, #tpu.memory_space<hbm>>
    tpu.enqueue_dma source(%dma_start3A_170 : memref<320xi32, #tpu.memory_space<hbm>>) target(%dma_start3A_169 : memref<320xi32, #tpu.memory_space<vmem>>) target_semaphore(%arg10 : memref<!tpu.dma_semaphore, #tpu.memory_space<semaphore_mem>>)
    %add3A_171 = arith.constant 640 : i32
    %add3A_172 = arith.addi %mul3A_2, %add3A_171 : i32
    %rem3A_173 = arith.constant 2 : i32
    %rem3A_174 = arith.constant 6 : i32
    %rem3A_175 = arith.remsi %rem3A_173, %rem3A_174 : i32
    %mul3A_176 = arith.constant 320 : i32
    %mul3A_177 = arith.muli %rem3A_175, %mul3A_176 : i32
    %dma_wait3A_178 = tpu.memref_slice %arg7[%mul3A_177] : memref<1920xi32, #tpu.memory_space<vmem>> -> memref<320xi32, #tpu.memory_space<vmem>>
    %dma_wait3A_179 = tpu.memref_slice %arg2[%add3A_172] : memref<819200xi32, #tpu.memory_space<hbm>> -> memref<320xi32, #tpu.memory_space<hbm>>
    %dma_wait3A_180 = tpu.memref_slice %arg7[%mul3A_177] : memref<1920xi32, #tpu.memory_space<vmem>> -> memref<320xi32, #tpu.memory_space<vmem>>
    %dma_wait3A_181 = tpu.memref_slice %arg2[%add3A_172] : memref<819200xi32, #tpu.memory_space<hbm>> -> memref<320xi32, #tpu.memory_space<hbm>>
    tpu.wait_dma2 semaphore(%arg10 : memref<!tpu.dma_semaphore, #tpu.memory_space<semaphore_mem>>) src(%dma_wait3A_181 : memref<320xi32, #tpu.memory_space<hbm>>) dst(%dma_wait3A_180 : memref<320xi32, #tpu.memory_space<vmem>>)
    %rem3A_182 = arith.constant 2 : i32
    %rem3A_183 = arith.constant 6 : i32
    %rem3A_184 = arith.remsi %rem3A_182, %rem3A_183 : i32
    %mul3A_185 = arith.constant 320 : i32
    %mul3A_186 = arith.muli %rem3A_184, %mul3A_185 : i32
    %rem3A_187 = arith.constant 2 : i32
    %rem3A_188 = arith.constant 5 : i32
    %rem3A_189 = arith.remsi %rem3A_187, %rem3A_188 : i32
    %mul3A_190 = arith.constant 320 : i32
    %mul3A_191 = arith.muli %rem3A_189, %mul3A_190 : i32
    %dma_start3A_192 = tpu.memref_slice %arg8[%mul3A_191] : memref<1600xi32, #tpu.memory_space<vmem>> -> memref<320xi32, #tpu.memory_space<vmem>>
    %dma_start3A_193 = tpu.memref_slice %arg7[%mul3A_186] : memref<1920xi32, #tpu.memory_space<vmem>> -> memref<320xi32, #tpu.memory_space<vmem>>
    %dma_start3A_194 = arith.constant 0 : i32
    %dma_start3A_195 = tpu.memref_slice %arg6[%dma_start3A_194] : memref<1000000xi32, #tpu.memory_space<vmem_shared>> -> memref<1000000xi32, #tpu.memory_space<vmem_shared>>
    tpu.enqueue_indirect_dma source(%dma_start3A_195 : memref<1000000xi32, #tpu.memory_space<vmem_shared>>) target(%dma_start3A_192 : memref<320xi32, #tpu.memory_space<vmem>>) offsets(%dma_start3A_193 : memref<320xi32, #tpu.memory_space<vmem>>) semaphore(%arg11 : memref<!tpu.dma_semaphore, #tpu.memory_space<semaphore_mem>>)
    %rem3A_196 = arith.constant 2 : i32
    %rem3A_197 = arith.constant 6 : i32
    %rem3A_198 = arith.remsi %rem3A_196, %rem3A_197 : i32
    %mul3A_199 = arith.constant 320 : i32
    %mul3A_200 = arith.muli %rem3A_198, %mul3A_199 : i32
    %rem3A_201 = arith.constant 2 : i32
    %rem3A_202 = arith.constant 5 : i32
    %rem3A_203 = arith.remsi %rem3A_201, %rem3A_202 : i32
    %mul3A_204 = arith.constant 320 : i32
    %mul3A_205 = arith.muli %rem3A_203, %mul3A_204 : i32
    %dma_wait3A_206 = tpu.memref_slice %arg8[%mul3A_205] : memref<1600xi32, #tpu.memory_space<vmem>> -> memref<320xi32, #tpu.memory_space<vmem>>
    %dma_wait3A_207 = tpu.memref_slice %arg7[%mul3A_200] : memref<1920xi32, #tpu.memory_space<vmem>> -> memref<320xi32, #tpu.memory_space<vmem>>
    %dma_wait3A_208 = arith.constant 0 : i32
    %dma_wait3A_209 = tpu.memref_slice %arg6[%dma_wait3A_208] : memref<1000000xi32, #tpu.memory_space<vmem_shared>> -> memref<1000000xi32, #tpu.memory_space<vmem_shared>>
    tpu.wait_indirect_dma semaphore(%arg11 : memref<!tpu.dma_semaphore, #tpu.memory_space<semaphore_mem>>) src(%dma_wait3A_209 : memref<1000000xi32, #tpu.memory_space<vmem_shared>>) dst(%dma_wait3A_206 : memref<320xi32, #tpu.memory_space<vmem>>)
    %rem3A_210 = arith.constant 2 : i32
    %rem3A_211 = arith.constant 5 : i32
    %rem3A_212 = arith.remsi %rem3A_210, %rem3A_211 : i32
    %mul3A_213 = arith.constant 320 : i32
    %mul3A_214 = arith.muli %rem3A_212, %mul3A_213 : i32
    %rem3A_215 = arith.constant 2 : i32
    %rem3A_216 = arith.constant 5 : i32
    %rem3A_217 = arith.remsi %rem3A_215, %rem3A_216 : i32
    %mul3A_218 = arith.constant 320 : i32
    %mul3A_219 = arith.muli %rem3A_217, %mul3A_218 : i32
    %dma_start3A_220 = arith.constant 0 : i32
    %dma_start3A_221 = tpu.memref_slice %arg9[%mul3A_219, %dma_start3A_220] : memref<1600x32xf32, #tpu.memory_space<vmem>> -> memref<320x32xf32, #tpu.memory_space<vmem>>
    %dma_start3A_222 = tpu.memref_slice %arg8[%mul3A_214] : memref<1600xi32, #tpu.memory_space<vmem>> -> memref<320xi32, #tpu.memory_space<vmem>>
    %dma_start3A_223 = arith.constant 0 : i32
    %dma_start3A_224 = arith.constant 0 : i32
    %dma_start3A_225 = tpu.memref_slice %arg4[%dma_start3A_223, %dma_start3A_224] : memref<1000000x32xf32, #tpu.memory_space<hbm>> -> memref<1000000x32xf32, #tpu.memory_space<hbm>>
    tpu.enqueue_indirect_dma source(%dma_start3A_225 : memref<1000000x32xf32, #tpu.memory_space<hbm>>) target(%dma_start3A_221 : memref<320x32xf32, #tpu.memory_space<vmem>>) offsets(%dma_start3A_222 : memref<320xi32, #tpu.memory_space<vmem>>) semaphore(%arg12 : memref<!tpu.dma_semaphore, #tpu.memory_space<semaphore_mem>>)
    %add3A_226 = arith.constant 1600 : i32
    %add3A_227 = arith.addi %mul3A_2, %add3A_226 : i32
    %rem3A_228 = arith.constant 5 : i32
    %rem3A_229 = arith.constant 6 : i32
    %rem3A_230 = arith.remsi %rem3A_228, %rem3A_229 : i32
    %mul3A_231 = arith.constant 320 : i32
    %mul3A_232 = arith.muli %rem3A_230, %mul3A_231 : i32
    %dma_start3A_233 = tpu.memref_slice %arg7[%mul3A_232] : memref<1920xi32, #tpu.memory_space<vmem>> -> memref<320xi32, #tpu.memory_space<vmem>>
    %dma_start3A_234 = tpu.memref_slice %arg2[%add3A_227] : memref<819200xi32, #tpu.memory_space<hbm>> -> memref<320xi32, #tpu.memory_space<hbm>>
    %dma_start3A_235 = tpu.memref_slice %arg7[%mul3A_232] : memref<1920xi32, #tpu.memory_space<vmem>> -> memref<320xi32, #tpu.memory_space<vmem>>
    %dma_start3A_236 = tpu.memref_slice %arg2[%add3A_227] : memref<819200xi32, #tpu.memory_space<hbm>> -> memref<320xi32, #tpu.memory_space<hbm>>
    tpu.enqueue_dma source(%dma_start3A_236 : memref<320xi32, #tpu.memory_space<hbm>>) target(%dma_start3A_235 : memref<320xi32, #tpu.memory_space<vmem>>) target_semaphore(%arg10 : memref<!tpu.dma_semaphore, #tpu.memory_space<semaphore_mem>>)
    %add3A_237 = arith.constant 960 : i32
    %add3A_238 = arith.addi %mul3A_2, %add3A_237 : i32
    %rem3A_239 = arith.constant 3 : i32
    %rem3A_240 = arith.constant 6 : i32
    %rem3A_241 = arith.remsi %rem3A_239, %rem3A_240 : i32
    %mul3A_242 = arith.constant 320 : i32
    %mul3A_243 = arith.muli %rem3A_241, %mul3A_242 : i32
    %dma_wait3A_244 = tpu.memref_slice %arg7[%mul3A_243] : memref<1920xi32, #tpu.memory_space<vmem>> -> memref<320xi32, #tpu.memory_space<vmem>>
    %dma_wait3A_245 = tpu.memref_slice %arg2[%add3A_238] : memref<819200xi32, #tpu.memory_space<hbm>> -> memref<320xi32, #tpu.memory_space<hbm>>
    %dma_wait3A_246 = tpu.memref_slice %arg7[%mul3A_243] : memref<1920xi32, #tpu.memory_space<vmem>> -> memref<320xi32, #tpu.memory_space<vmem>>
    %dma_wait3A_247 = tpu.memref_slice %arg2[%add3A_238] : memref<819200xi32, #tpu.memory_space<hbm>> -> memref<320xi32, #tpu.memory_space<hbm>>
    tpu.wait_dma2 semaphore(%arg10 : memref<!tpu.dma_semaphore, #tpu.memory_space<semaphore_mem>>) src(%dma_wait3A_247 : memref<320xi32, #tpu.memory_space<hbm>>) dst(%dma_wait3A_246 : memref<320xi32, #tpu.memory_space<vmem>>)
    %rem3A_248 = arith.constant 3 : i32
    %rem3A_249 = arith.constant 6 : i32
    %rem3A_250 = arith.remsi %rem3A_248, %rem3A_249 : i32
    %mul3A_251 = arith.constant 320 : i32
    %mul3A_252 = arith.muli %rem3A_250, %mul3A_251 : i32
    %rem3A_253 = arith.constant 3 : i32
    %rem3A_254 = arith.constant 5 : i32
    %rem3A_255 = arith.remsi %rem3A_253, %rem3A_254 : i32
    %mul3A_256 = arith.constant 320 : i32
    %mul3A_257 = arith.muli %rem3A_255, %mul3A_256 : i32
    %dma_start3A_258 = tpu.memref_slice %arg8[%mul3A_257] : memref<1600xi32, #tpu.memory_space<vmem>> -> memref<320xi32, #tpu.memory_space<vmem>>
    %dma_start3A_259 = tpu.memref_slice %arg7[%mul3A_252] : memref<1920xi32, #tpu.memory_space<vmem>> -> memref<320xi32, #tpu.memory_space<vmem>>
    %dma_start3A_260 = arith.constant 0 : i32
    %dma_start3A_261 = tpu.memref_slice %arg6[%dma_start3A_260] : memref<1000000xi32, #tpu.memory_space<vmem_shared>> -> memref<1000000xi32, #tpu.memory_space<vmem_shared>>
    tpu.enqueue_indirect_dma source(%dma_start3A_261 : memref<1000000xi32, #tpu.memory_space<vmem_shared>>) target(%dma_start3A_258 : memref<320xi32, #tpu.memory_space<vmem>>) offsets(%dma_start3A_259 : memref<320xi32, #tpu.memory_space<vmem>>) semaphore(%arg11 : memref<!tpu.dma_semaphore, #tpu.memory_space<semaphore_mem>>)
    %rem3A_262 = arith.constant 0 : i32
    %rem3A_263 = arith.constant 5 : i32
    %rem3A_264 = arith.remsi %rem3A_262, %rem3A_263 : i32
    %mul3A_265 = arith.constant 320 : i32
    %mul3A_266 = arith.muli %rem3A_264, %mul3A_265 : i32
    %rem3A_267 = arith.constant 0 : i32
    %rem3A_268 = arith.constant 5 : i32
    %rem3A_269 = arith.remsi %rem3A_267, %rem3A_268 : i32
    %mul3A_270 = arith.constant 320 : i32
    %mul3A_271 = arith.muli %rem3A_269, %mul3A_270 : i32
    %dma_wait3A_272 = arith.constant 0 : i32
    %dma_wait3A_273 = tpu.memref_slice %arg9[%mul3A_271, %dma_wait3A_272] : memref<1600x32xf32, #tpu.memory_space<vmem>> -> memref<320x32xf32, #tpu.memory_space<vmem>>
    %dma_wait3A_274 = tpu.memref_slice %arg8[%mul3A_266] : memref<1600xi32, #tpu.memory_space<vmem>> -> memref<320xi32, #tpu.memory_space<vmem>>
    %dma_wait3A_275 = arith.constant 0 : i32
    %dma_wait3A_276 = arith.constant 0 : i32
    %dma_wait3A_277 = tpu.memref_slice %arg4[%dma_wait3A_275, %dma_wait3A_276] : memref<1000000x32xf32, #tpu.memory_space<hbm>> -> memref<1000000x32xf32, #tpu.memory_space<hbm>>
    tpu.wait_indirect_dma semaphore(%arg12 : memref<!tpu.dma_semaphore, #tpu.memory_space<semaphore_mem>>) src(%dma_wait3A_277 : memref<1000000x32xf32, #tpu.memory_space<hbm>>) dst(%dma_wait3A_273 : memref<320x32xf32, #tpu.memory_space<vmem>>)
    %add3A_278 = arith.constant 0 : i32
    %add3A_279 = arith.addi %mul3A_2, %add3A_278 : i32
    %rem3A_280 = arith.constant 0 : i32
    %rem3A_281 = arith.constant 5 : i32
    %rem3A_282 = arith.remsi %rem3A_280, %rem3A_281 : i32
    %mul3A_283 = arith.constant 320 : i32
    %mul3A_284 = arith.muli %rem3A_282, %mul3A_283 : i32
    %dma_start3A_285 = arith.constant 0 : i32
    %dma_start3A_286 = tpu.memref_slice %arg9[%mul3A_284, %dma_start3A_285] : memref<1600x32xf32, #tpu.memory_space<vmem>> -> memref<320x32xf32, #tpu.memory_space<vmem>>
    %dma_start3A_287 = arith.constant 0 : i32
    %dma_start3A_288 = tpu.memref_slice %arg5[%add3A_279, %dma_start3A_287] : memref<819200x32xf32, #tpu.memory_space<hbm>> -> memref<320x32xf32, #tpu.memory_space<hbm>>
    %dma_start3A_289 = arith.constant 0 : i32
    %dma_start3A_290 = tpu.memref_slice %arg5[%add3A_279, %dma_start3A_289] : memref<819200x32xf32, #tpu.memory_space<hbm>> -> memref<320x32xf32, #tpu.memory_space<hbm>>
    %dma_start3A_291 = arith.constant 0 : i32
    %dma_start3A_292 = tpu.memref_slice %arg9[%mul3A_284, %dma_start3A_291] : memref<1600x32xf32, #tpu.memory_space<vmem>> -> memref<320x32xf32, #tpu.memory_space<vmem>>
    tpu.enqueue_dma source(%dma_start3A_292 : memref<320x32xf32, #tpu.memory_space<vmem>>) target(%dma_start3A_290 : memref<320x32xf32, #tpu.memory_space<hbm>>) target_semaphore(%arg13 : memref<!tpu.dma_semaphore, #tpu.memory_space<semaphore_mem>>)
    %rem3A_293 = arith.constant 3 : i32
    %rem3A_294 = arith.constant 6 : i32
    %rem3A_295 = arith.remsi %rem3A_293, %rem3A_294 : i32
    %mul3A_296 = arith.constant 320 : i32
    %mul3A_297 = arith.muli %rem3A_295, %mul3A_296 : i32
    %rem3A_298 = arith.constant 3 : i32
    %rem3A_299 = arith.constant 5 : i32
    %rem3A_300 = arith.remsi %rem3A_298, %rem3A_299 : i32
    %mul3A_301 = arith.constant 320 : i32
    %mul3A_302 = arith.muli %rem3A_300, %mul3A_301 : i32
    %dma_wait3A_303 = tpu.memref_slice %arg8[%mul3A_302] : memref<1600xi32, #tpu.memory_space<vmem>> -> memref<320xi32, #tpu.memory_space<vmem>>
    %dma_wait3A_304 = tpu.memref_slice %arg7[%mul3A_297] : memref<1920xi32, #tpu.memory_space<vmem>> -> memref<320xi32, #tpu.memory_space<vmem>>
    %dma_wait3A_305 = arith.constant 0 : i32
    %dma_wait3A_306 = tpu.memref_slice %arg6[%dma_wait3A_305] : memref<1000000xi32, #tpu.memory_space<vmem_shared>> -> memref<1000000xi32, #tpu.memory_space<vmem_shared>>
    tpu.wait_indirect_dma semaphore(%arg11 : memref<!tpu.dma_semaphore, #tpu.memory_space<semaphore_mem>>) src(%dma_wait3A_306 : memref<1000000xi32, #tpu.memory_space<vmem_shared>>) dst(%dma_wait3A_303 : memref<320xi32, #tpu.memory_space<vmem>>)
    %rem3A_307 = arith.constant 3 : i32
    %rem3A_308 = arith.constant 5 : i32
    %rem3A_309 = arith.remsi %rem3A_307, %rem3A_308 : i32
    %mul3A_310 = arith.constant 320 : i32
    %mul3A_311 = arith.muli %rem3A_309, %mul3A_310 : i32
    %rem3A_312 = arith.constant 3 : i32
    %rem3A_313 = arith.constant 5 : i32
    %rem3A_314 = arith.remsi %rem3A_312, %rem3A_313 : i32
    %mul3A_315 = arith.constant 320 : i32
    %mul3A_316 = arith.muli %rem3A_314, %mul3A_315 : i32
    %dma_start3A_317 = arith.constant 0 : i32
    %dma_start3A_318 = tpu.memref_slice %arg9[%mul3A_316, %dma_start3A_317] : memref<1600x32xf32, #tpu.memory_space<vmem>> -> memref<320x32xf32, #tpu.memory_space<vmem>>
    %dma_start3A_319 = tpu.memref_slice %arg8[%mul3A_311] : memref<1600xi32, #tpu.memory_space<vmem>> -> memref<320xi32, #tpu.memory_space<vmem>>
    %dma_start3A_320 = arith.constant 0 : i32
    %dma_start3A_321 = arith.constant 0 : i32
    %dma_start3A_322 = tpu.memref_slice %arg4[%dma_start3A_320, %dma_start3A_321] : memref<1000000x32xf32, #tpu.memory_space<hbm>> -> memref<1000000x32xf32, #tpu.memory_space<hbm>>
    tpu.enqueue_indirect_dma source(%dma_start3A_322 : memref<1000000x32xf32, #tpu.memory_space<hbm>>) target(%dma_start3A_318 : memref<320x32xf32, #tpu.memory_space<vmem>>) offsets(%dma_start3A_319 : memref<320xi32, #tpu.memory_space<vmem>>) semaphore(%arg12 : memref<!tpu.dma_semaphore, #tpu.memory_space<semaphore_mem>>)
    %add3A_323 = arith.constant 1920 : i32
    %add3A_324 = arith.addi %mul3A_2, %add3A_323 : i32
    %rem3A_325 = arith.constant 6 : i32
    %rem3A_326 = arith.constant 6 : i32
    %rem3A_327 = arith.remsi %rem3A_325, %rem3A_326 : i32
    %mul3A_328 = arith.constant 320 : i32
    %mul3A_329 = arith.muli %rem3A_327, %mul3A_328 : i32
    %dma_start3A_330 = tpu.memref_slice %arg7[%mul3A_329] : memref<1920xi32, #tpu.memory_space<vmem>> -> memref<320xi32, #tpu.memory_space<vmem>>
    %dma_start3A_331 = tpu.memref_slice %arg2[%add3A_324] : memref<819200xi32, #tpu.memory_space<hbm>> -> memref<320xi32, #tpu.memory_space<hbm>>
    %dma_start3A_332 = tpu.memref_slice %arg7[%mul3A_329] : memref<1920xi32, #tpu.memory_space<vmem>> -> memref<320xi32, #tpu.memory_space<vmem>>
    %dma_start3A_333 = tpu.memref_slice %arg2[%add3A_324] : memref<819200xi32, #tpu.memory_space<hbm>> -> memref<320xi32, #tpu.memory_space<hbm>>
    tpu.enqueue_dma source(%dma_start3A_333 : memref<320xi32, #tpu.memory_space<hbm>>) target(%dma_start3A_332 : memref<320xi32, #tpu.memory_space<vmem>>) target_semaphore(%arg10 : memref<!tpu.dma_semaphore, #tpu.memory_space<semaphore_mem>>)
    %add3A_334 = arith.constant 1280 : i32
    %add3A_335 = arith.addi %mul3A_2, %add3A_334 : i32
    %rem3A_336 = arith.constant 4 : i32
    %rem3A_337 = arith.constant 6 : i32
    %rem3A_338 = arith.remsi %rem3A_336, %rem3A_337 : i32
    %mul3A_339 = arith.constant 320 : i32
    %mul3A_340 = arith.muli %rem3A_338, %mul3A_339 : i32
    %dma_wait3A_341 = tpu.memref_slice %arg7[%mul3A_340] : memref<1920xi32, #tpu.memory_space<vmem>> -> memref<320xi32, #tpu.memory_space<vmem>>
    %dma_wait3A_342 = tpu.memref_slice %arg2[%add3A_335] : memref<819200xi32, #tpu.memory_space<hbm>> -> memref<320xi32, #tpu.memory_space<hbm>>
    %dma_wait3A_343 = tpu.memref_slice %arg7[%mul3A_340] : memref<1920xi32, #tpu.memory_space<vmem>> -> memref<320xi32, #tpu.memory_space<vmem>>
    %dma_wait3A_344 = tpu.memref_slice %arg2[%add3A_335] : memref<819200xi32, #tpu.memory_space<hbm>> -> memref<320xi32, #tpu.memory_space<hbm>>
    tpu.wait_dma2 semaphore(%arg10 : memref<!tpu.dma_semaphore, #tpu.memory_space<semaphore_mem>>) src(%dma_wait3A_344 : memref<320xi32, #tpu.memory_space<hbm>>) dst(%dma_wait3A_343 : memref<320xi32, #tpu.memory_space<vmem>>)
    %rem3A_345 = arith.constant 4 : i32
    %rem3A_346 = arith.constant 6 : i32
    %rem3A_347 = arith.remsi %rem3A_345, %rem3A_346 : i32
    %mul3A_348 = arith.constant 320 : i32
    %mul3A_349 = arith.muli %rem3A_347, %mul3A_348 : i32
    %rem3A_350 = arith.constant 4 : i32
    %rem3A_351 = arith.constant 5 : i32
    %rem3A_352 = arith.remsi %rem3A_350, %rem3A_351 : i32
    %mul3A_353 = arith.constant 320 : i32
    %mul3A_354 = arith.muli %rem3A_352, %mul3A_353 : i32
    %dma_start3A_355 = tpu.memref_slice %arg8[%mul3A_354] : memref<1600xi32, #tpu.memory_space<vmem>> -> memref<320xi32, #tpu.memory_space<vmem>>
    %dma_start3A_356 = tpu.memref_slice %arg7[%mul3A_349] : memref<1920xi32, #tpu.memory_space<vmem>> -> memref<320xi32, #tpu.memory_space<vmem>>
    %dma_start3A_357 = arith.constant 0 : i32
    %dma_start3A_358 = tpu.memref_slice %arg6[%dma_start3A_357] : memref<1000000xi32, #tpu.memory_space<vmem_shared>> -> memref<1000000xi32, #tpu.memory_space<vmem_shared>>
    tpu.enqueue_indirect_dma source(%dma_start3A_358 : memref<1000000xi32, #tpu.memory_space<vmem_shared>>) target(%dma_start3A_355 : memref<320xi32, #tpu.memory_space<vmem>>) offsets(%dma_start3A_356 : memref<320xi32, #tpu.memory_space<vmem>>) semaphore(%arg11 : memref<!tpu.dma_semaphore, #tpu.memory_space<semaphore_mem>>)
    %rem3A_359 = arith.constant 1 : i32
    %rem3A_360 = arith.constant 5 : i32
    %rem3A_361 = arith.remsi %rem3A_359, %rem3A_360 : i32
    %mul3A_362 = arith.constant 320 : i32
    %mul3A_363 = arith.muli %rem3A_361, %mul3A_362 : i32
    %rem3A_364 = arith.constant 1 : i32
    %rem3A_365 = arith.constant 5 : i32
    %rem3A_366 = arith.remsi %rem3A_364, %rem3A_365 : i32
    %mul3A_367 = arith.constant 320 : i32
    %mul3A_368 = arith.muli %rem3A_366, %mul3A_367 : i32
    %dma_wait3A_369 = arith.constant 0 : i32
    %dma_wait3A_370 = tpu.memref_slice %arg9[%mul3A_368, %dma_wait3A_369] : memref<1600x32xf32, #tpu.memory_space<vmem>> -> memref<320x32xf32, #tpu.memory_space<vmem>>
    %dma_wait3A_371 = tpu.memref_slice %arg8[%mul3A_363] : memref<1600xi32, #tpu.memory_space<vmem>> -> memref<320xi32, #tpu.memory_space<vmem>>
    %dma_wait3A_372 = arith.constant 0 : i32
    %dma_wait3A_373 = arith.constant 0 : i32
    %dma_wait3A_374 = tpu.memref_slice %arg4[%dma_wait3A_372, %dma_wait3A_373] : memref<1000000x32xf32, #tpu.memory_space<hbm>> -> memref<1000000x32xf32, #tpu.memory_space<hbm>>
    tpu.wait_indirect_dma semaphore(%arg12 : memref<!tpu.dma_semaphore, #tpu.memory_space<semaphore_mem>>) src(%dma_wait3A_374 : memref<1000000x32xf32, #tpu.memory_space<hbm>>) dst(%dma_wait3A_370 : memref<320x32xf32, #tpu.memory_space<vmem>>)
    %add3A_375 = arith.constant 320 : i32
    %add3A_376 = arith.addi %mul3A_2, %add3A_375 : i32
    %rem3A_377 = arith.constant 1 : i32
    %rem3A_378 = arith.constant 5 : i32
    %rem3A_379 = arith.remsi %rem3A_377, %rem3A_378 : i32
    %mul3A_380 = arith.constant 320 : i32
    %mul3A_381 = arith.muli %rem3A_379, %mul3A_380 : i32
    %dma_start3A_382 = arith.constant 0 : i32
    %dma_start3A_383 = tpu.memref_slice %arg9[%mul3A_381, %dma_start3A_382] : memref<1600x32xf32, #tpu.memory_space<vmem>> -> memref<320x32xf32, #tpu.memory_space<vmem>>
    %dma_start3A_384 = arith.constant 0 : i32
    %dma_start3A_385 = tpu.memref_slice %arg5[%add3A_376, %dma_start3A_384] : memref<819200x32xf32, #tpu.memory_space<hbm>> -> memref<320x32xf32, #tpu.memory_space<hbm>>
    %dma_start3A_386 = arith.constant 0 : i32
    %dma_start3A_387 = tpu.memref_slice %arg5[%add3A_376, %dma_start3A_386] : memref<819200x32xf32, #tpu.memory_space<hbm>> -> memref<320x32xf32, #tpu.memory_space<hbm>>
    %dma_start3A_388 = arith.constant 0 : i32
    %dma_start3A_389 = tpu.memref_slice %arg9[%mul3A_381, %dma_start3A_388] : memref<1600x32xf32, #tpu.memory_space<vmem>> -> memref<320x32xf32, #tpu.memory_space<vmem>>
    tpu.enqueue_dma source(%dma_start3A_389 : memref<320x32xf32, #tpu.memory_space<vmem>>) target(%dma_start3A_387 : memref<320x32xf32, #tpu.memory_space<hbm>>) target_semaphore(%arg13 : memref<!tpu.dma_semaphore, #tpu.memory_space<semaphore_mem>>)
    %rem3A_390 = arith.constant 4 : i32
    %rem3A_391 = arith.constant 6 : i32
    %rem3A_392 = arith.remsi %rem3A_390, %rem3A_391 : i32
    %mul3A_393 = arith.constant 320 : i32
    %mul3A_394 = arith.muli %rem3A_392, %mul3A_393 : i32
    %rem3A_395 = arith.constant 4 : i32
    %rem3A_396 = arith.constant 5 : i32
    %rem3A_397 = arith.remsi %rem3A_395, %rem3A_396 : i32
    %mul3A_398 = arith.constant 320 : i32
    %mul3A_399 = arith.muli %rem3A_397, %mul3A_398 : i32
    %dma_wait3A_400 = tpu.memref_slice %arg8[%mul3A_399] : memref<1600xi32, #tpu.memory_space<vmem>> -> memref<320xi32, #tpu.memory_space<vmem>>
    %dma_wait3A_401 = tpu.memref_slice %arg7[%mul3A_394] : memref<1920xi32, #tpu.memory_space<vmem>> -> memref<320xi32, #tpu.memory_space<vmem>>
    %dma_wait3A_402 = arith.constant 0 : i32
    %dma_wait3A_403 = tpu.memref_slice %arg6[%dma_wait3A_402] : memref<1000000xi32, #tpu.memory_space<vmem_shared>> -> memref<1000000xi32, #tpu.memory_space<vmem_shared>>
    tpu.wait_indirect_dma semaphore(%arg11 : memref<!tpu.dma_semaphore, #tpu.memory_space<semaphore_mem>>) src(%dma_wait3A_403 : memref<1000000xi32, #tpu.memory_space<vmem_shared>>) dst(%dma_wait3A_400 : memref<320xi32, #tpu.memory_space<vmem>>)
    %rem3A_404 = arith.constant 4 : i32
    %rem3A_405 = arith.constant 5 : i32
    %rem3A_406 = arith.remsi %rem3A_404, %rem3A_405 : i32
    %mul3A_407 = arith.constant 320 : i32
    %mul3A_408 = arith.muli %rem3A_406, %mul3A_407 : i32
    %rem3A_409 = arith.constant 4 : i32
    %rem3A_410 = arith.constant 5 : i32
    %rem3A_411 = arith.remsi %rem3A_409, %rem3A_410 : i32
    %mul3A_412 = arith.constant 320 : i32
    %mul3A_413 = arith.muli %rem3A_411, %mul3A_412 : i32
    %dma_start3A_414 = arith.constant 0 : i32
    %dma_start3A_415 = tpu.memref_slice %arg9[%mul3A_413, %dma_start3A_414] : memref<1600x32xf32, #tpu.memory_space<vmem>> -> memref<320x32xf32, #tpu.memory_space<vmem>>
    %dma_start3A_416 = tpu.memref_slice %arg8[%mul3A_408] : memref<1600xi32, #tpu.memory_space<vmem>> -> memref<320xi32, #tpu.memory_space<vmem>>
    %dma_start3A_417 = arith.constant 0 : i32
    %dma_start3A_418 = arith.constant 0 : i32
    %dma_start3A_419 = tpu.memref_slice %arg4[%dma_start3A_417, %dma_start3A_418] : memref<1000000x32xf32, #tpu.memory_space<hbm>> -> memref<1000000x32xf32, #tpu.memory_space<hbm>>
    tpu.enqueue_indirect_dma source(%dma_start3A_419 : memref<1000000x32xf32, #tpu.memory_space<hbm>>) target(%dma_start3A_415 : memref<320x32xf32, #tpu.memory_space<vmem>>) offsets(%dma_start3A_416 : memref<320xi32, #tpu.memory_space<vmem>>) semaphore(%arg12 : memref<!tpu.dma_semaphore, #tpu.memory_space<semaphore_mem>>)
    %scan3A = arith.constant 0 : i32
    %scan3A_420 = arith.constant 2 : i32
    %scan3A_421 = arith.constant 73 : i32
    %scan3A_422 = arith.addi %scan3A_420, %scan3A_421 : i32
    %scan3A_423 = arith.constant 1 : i32
    scf.for %scan3A_795 = %scan3A_420 to %scan3A_422 step %scan3A_423  : i32 {
      %add3A_796 = arith.constant 5 : i32
      %add3A_797 = arith.addi %scan3A_795, %add3A_796 : i32
      %mul3A_798 = arith.constant 320 : i32
      %mul3A_799 = arith.muli %add3A_797, %mul3A_798 : i32
      %add3A_800 = arith.addi %mul3A_2, %mul3A_799 : i32
      %rem3A_801 = arith.constant 6 : i32
      %rem3A_802 = arith.remsi %add3A_797, %rem3A_801 : i32
      %mul3A_803 = arith.constant 320 : i32
      %mul3A_804 = arith.muli %rem3A_802, %mul3A_803 : i32
      %dma_start3A_805 = tpu.memref_slice %arg7[%mul3A_804] : memref<1920xi32, #tpu.memory_space<vmem>> -> memref<320xi32, #tpu.memory_space<vmem>>
      %dma_start3A_806 = tpu.memref_slice %arg2[%add3A_800] : memref<819200xi32, #tpu.memory_space<hbm>> -> memref<320xi32, #tpu.memory_space<hbm>>
      %dma_start3A_807 = tpu.memref_slice %arg7[%mul3A_804] : memref<1920xi32, #tpu.memory_space<vmem>> -> memref<320xi32, #tpu.memory_space<vmem>>
      %dma_start3A_808 = tpu.memref_slice %arg2[%add3A_800] : memref<819200xi32, #tpu.memory_space<hbm>> -> memref<320xi32, #tpu.memory_space<hbm>>
      tpu.enqueue_dma source(%dma_start3A_808 : memref<320xi32, #tpu.memory_space<hbm>>) target(%dma_start3A_807 : memref<320xi32, #tpu.memory_space<vmem>>) target_semaphore(%arg10 : memref<!tpu.dma_semaphore, #tpu.memory_space<semaphore_mem>>)
      %add3A_809 = arith.constant 3 : i32
      %add3A_810 = arith.addi %scan3A_795, %add3A_809 : i32
      %mul3A_811 = arith.constant 320 : i32
      %mul3A_812 = arith.muli %add3A_810, %mul3A_811 : i32
      %add3A_813 = arith.addi %mul3A_2, %mul3A_812 : i32
      %rem3A_814 = arith.constant 6 : i32
      %rem3A_815 = arith.remsi %add3A_810, %rem3A_814 : i32
      %mul3A_816 = arith.constant 320 : i32
      %mul3A_817 = arith.muli %rem3A_815, %mul3A_816 : i32
      %dma_wait3A_818 = tpu.memref_slice %arg7[%mul3A_817] : memref<1920xi32, #tpu.memory_space<vmem>> -> memref<320xi32, #tpu.memory_space<vmem>>
      %dma_wait3A_819 = tpu.memref_slice %arg2[%add3A_813] : memref<819200xi32, #tpu.memory_space<hbm>> -> memref<320xi32, #tpu.memory_space<hbm>>
      %dma_wait3A_820 = tpu.memref_slice %arg7[%mul3A_817] : memref<1920xi32, #tpu.memory_space<vmem>> -> memref<320xi32, #tpu.memory_space<vmem>>
      %dma_wait3A_821 = tpu.memref_slice %arg2[%add3A_813] : memref<819200xi32, #tpu.memory_space<hbm>> -> memref<320xi32, #tpu.memory_space<hbm>>
      tpu.wait_dma2 semaphore(%arg10 : memref<!tpu.dma_semaphore, #tpu.memory_space<semaphore_mem>>) src(%dma_wait3A_821 : memref<320xi32, #tpu.memory_space<hbm>>) dst(%dma_wait3A_820 : memref<320xi32, #tpu.memory_space<vmem>>)
      %add3A_822 = arith.constant 3 : i32
      %add3A_823 = arith.addi %scan3A_795, %add3A_822 : i32
      %rem3A_824 = arith.constant 6 : i32
      %rem3A_825 = arith.remsi %add3A_823, %rem3A_824 : i32
      %mul3A_826 = arith.constant 320 : i32
      %mul3A_827 = arith.muli %rem3A_825, %mul3A_826 : i32
      %rem3A_828 = arith.constant 5 : i32
      %rem3A_829 = arith.remsi %add3A_823, %rem3A_828 : i32
      %mul3A_830 = arith.constant 320 : i32
      %mul3A_831 = arith.muli %rem3A_829, %mul3A_830 : i32
      %dma_start3A_832 = tpu.memref_slice %arg8[%mul3A_831] : memref<1600xi32, #tpu.memory_space<vmem>> -> memref<320xi32, #tpu.memory_space<vmem>>
      %dma_start3A_833 = tpu.memref_slice %arg7[%mul3A_827] : memref<1920xi32, #tpu.memory_space<vmem>> -> memref<320xi32, #tpu.memory_space<vmem>>
      %dma_start3A_834 = arith.constant 0 : i32
      %dma_start3A_835 = tpu.memref_slice %arg6[%dma_start3A_834] : memref<1000000xi32, #tpu.memory_space<vmem_shared>> -> memref<1000000xi32, #tpu.memory_space<vmem_shared>>
      tpu.enqueue_indirect_dma source(%dma_start3A_835 : memref<1000000xi32, #tpu.memory_space<vmem_shared>>) target(%dma_start3A_832 : memref<320xi32, #tpu.memory_space<vmem>>) offsets(%dma_start3A_833 : memref<320xi32, #tpu.memory_space<vmem>>) semaphore(%arg11 : memref<!tpu.dma_semaphore, #tpu.memory_space<semaphore_mem>>)
      %rem3A_836 = arith.constant 5 : i32
      %rem3A_837 = arith.remsi %scan3A_795, %rem3A_836 : i32
      %mul3A_838 = arith.constant 320 : i32
      %mul3A_839 = arith.muli %rem3A_837, %mul3A_838 : i32
      %rem3A_840 = arith.constant 5 : i32
      %rem3A_841 = arith.remsi %scan3A_795, %rem3A_840 : i32
      %mul3A_842 = arith.constant 320 : i32
      %mul3A_843 = arith.muli %rem3A_841, %mul3A_842 : i32
      %dma_wait3A_844 = arith.constant 0 : i32
      %dma_wait3A_845 = tpu.memref_slice %arg9[%mul3A_843, %dma_wait3A_844] : memref<1600x32xf32, #tpu.memory_space<vmem>> -> memref<320x32xf32, #tpu.memory_space<vmem>>
      %dma_wait3A_846 = tpu.memref_slice %arg8[%mul3A_839] : memref<1600xi32, #tpu.memory_space<vmem>> -> memref<320xi32, #tpu.memory_space<vmem>>
      %dma_wait3A_847 = arith.constant 0 : i32
      %dma_wait3A_848 = arith.constant 0 : i32
      %dma_wait3A_849 = tpu.memref_slice %arg4[%dma_wait3A_847, %dma_wait3A_848] : memref<1000000x32xf32, #tpu.memory_space<hbm>> -> memref<1000000x32xf32, #tpu.memory_space<hbm>>
      tpu.wait_indirect_dma semaphore(%arg12 : memref<!tpu.dma_semaphore, #tpu.memory_space<semaphore_mem>>) src(%dma_wait3A_849 : memref<1000000x32xf32, #tpu.memory_space<hbm>>) dst(%dma_wait3A_845 : memref<320x32xf32, #tpu.memory_space<vmem>>)
      %mul3A_850 = arith.constant 320 : i32
      %mul3A_851 = arith.muli %scan3A_795, %mul3A_850 : i32
      %add3A_852 = arith.addi %mul3A_2, %mul3A_851 : i32
      %rem3A_853 = arith.constant 5 : i32
      %rem3A_854 = arith.remsi %scan3A_795, %rem3A_853 : i32
      %mul3A_855 = arith.constant 320 : i32
      %mul3A_856 = arith.muli %rem3A_854, %mul3A_855 : i32
      %dma_start3A_857 = arith.constant 0 : i32
      %dma_start3A_858 = tpu.memref_slice %arg9[%mul3A_856, %dma_start3A_857] : memref<1600x32xf32, #tpu.memory_space<vmem>> -> memref<320x32xf32, #tpu.memory_space<vmem>>
      %dma_start3A_859 = arith.constant 0 : i32
      %dma_start3A_860 = tpu.memref_slice %arg5[%add3A_852, %dma_start3A_859] : memref<819200x32xf32, #tpu.memory_space<hbm>> -> memref<320x32xf32, #tpu.memory_space<hbm>>
      %dma_start3A_861 = arith.constant 0 : i32
      %dma_start3A_862 = tpu.memref_slice %arg5[%add3A_852, %dma_start3A_861] : memref<819200x32xf32, #tpu.memory_space<hbm>> -> memref<320x32xf32, #tpu.memory_space<hbm>>
      %dma_start3A_863 = arith.constant 0 : i32
      %dma_start3A_864 = tpu.memref_slice %arg9[%mul3A_856, %dma_start3A_863] : memref<1600x32xf32, #tpu.memory_space<vmem>> -> memref<320x32xf32, #tpu.memory_space<vmem>>
      tpu.enqueue_dma source(%dma_start3A_864 : memref<320x32xf32, #tpu.memory_space<vmem>>) target(%dma_start3A_862 : memref<320x32xf32, #tpu.memory_space<hbm>>) target_semaphore(%arg13 : memref<!tpu.dma_semaphore, #tpu.memory_space<semaphore_mem>>)
      %add3A_865 = arith.constant 3 : i32
      %add3A_866 = arith.addi %scan3A_795, %add3A_865 : i32
      %rem3A_867 = arith.constant 6 : i32
      %rem3A_868 = arith.remsi %add3A_866, %rem3A_867 : i32
      %mul3A_869 = arith.constant 320 : i32
      %mul3A_870 = arith.muli %rem3A_868, %mul3A_869 : i32
      %rem3A_871 = arith.constant 5 : i32
      %rem3A_872 = arith.remsi %add3A_866, %rem3A_871 : i32
      %mul3A_873 = arith.constant 320 : i32
      %mul3A_874 = arith.muli %rem3A_872, %mul3A_873 : i32
      %dma_wait3A_875 = tpu.memref_slice %arg8[%mul3A_874] : memref<1600xi32, #tpu.memory_space<vmem>> -> memref<320xi32, #tpu.memory_space<vmem>>
      %dma_wait3A_876 = tpu.memref_slice %arg7[%mul3A_870] : memref<1920xi32, #tpu.memory_space<vmem>> -> memref<320xi32, #tpu.memory_space<vmem>>
      %dma_wait3A_877 = arith.constant 0 : i32
      %dma_wait3A_878 = tpu.memref_slice %arg6[%dma_wait3A_877] : memref<1000000xi32, #tpu.memory_space<vmem_shared>> -> memref<1000000xi32, #tpu.memory_space<vmem_shared>>
      tpu.wait_indirect_dma semaphore(%arg11 : memref<!tpu.dma_semaphore, #tpu.memory_space<semaphore_mem>>) src(%dma_wait3A_878 : memref<1000000xi32, #tpu.memory_space<vmem_shared>>) dst(%dma_wait3A_875 : memref<320xi32, #tpu.memory_space<vmem>>)
      %sub3A = arith.constant 2 : i32
      %sub3A_879 = arith.subi %scan3A_795, %sub3A : i32
      %mul3A_880 = arith.constant 320 : i32
      %mul3A_881 = arith.muli %sub3A_879, %mul3A_880 : i32
      %add3A_882 = arith.addi %mul3A_2, %mul3A_881 : i32
      %rem3A_883 = arith.constant 5 : i32
      %rem3A_884 = arith.remsi %sub3A_879, %rem3A_883 : i32
      %mul3A_885 = arith.constant 320 : i32
      %mul3A_886 = arith.muli %rem3A_884, %mul3A_885 : i32
      %dma_wait3A_887 = arith.constant 0 : i32
      %dma_wait3A_888 = tpu.memref_slice %arg9[%mul3A_886, %dma_wait3A_887] : memref<1600x32xf32, #tpu.memory_space<vmem>> -> memref<320x32xf32, #tpu.memory_space<vmem>>
      %dma_wait3A_889 = arith.constant 0 : i32
      %dma_wait3A_890 = tpu.memref_slice %arg5[%add3A_882, %dma_wait3A_889] : memref<819200x32xf32, #tpu.memory_space<hbm>> -> memref<320x32xf32, #tpu.memory_space<hbm>>
      %dma_wait3A_891 = arith.constant 0 : i32
      %dma_wait3A_892 = tpu.memref_slice %arg5[%add3A_882, %dma_wait3A_891] : memref<819200x32xf32, #tpu.memory_space<hbm>> -> memref<320x32xf32, #tpu.memory_space<hbm>>
      %dma_wait3A_893 = arith.constant 0 : i32
      %dma_wait3A_894 = tpu.memref_slice %arg9[%mul3A_886, %dma_wait3A_893] : memref<1600x32xf32, #tpu.memory_space<vmem>> -> memref<320x32xf32, #tpu.memory_space<vmem>>
      tpu.wait_dma2 semaphore(%arg13 : memref<!tpu.dma_semaphore, #tpu.memory_space<semaphore_mem>>) src(%dma_wait3A_894 : memref<320x32xf32, #tpu.memory_space<vmem>>) dst(%dma_wait3A_892 : memref<320x32xf32, #tpu.memory_space<hbm>>)
      %add3A_895 = arith.constant 3 : i32
      %add3A_896 = arith.addi %scan3A_795, %add3A_895 : i32
      %rem3A_897 = arith.constant 5 : i32
      %rem3A_898 = arith.remsi %add3A_896, %rem3A_897 : i32
      %mul3A_899 = arith.constant 320 : i32
      %mul3A_900 = arith.muli %rem3A_898, %mul3A_899 : i32
      %rem3A_901 = arith.constant 5 : i32
      %rem3A_902 = arith.remsi %add3A_896, %rem3A_901 : i32
      %mul3A_903 = arith.constant 320 : i32
      %mul3A_904 = arith.muli %rem3A_902, %mul3A_903 : i32
      %dma_start3A_905 = arith.constant 0 : i32
      %dma_start3A_906 = tpu.memref_slice %arg9[%mul3A_904, %dma_start3A_905] : memref<1600x32xf32, #tpu.memory_space<vmem>> -> memref<320x32xf32, #tpu.memory_space<vmem>>
      %dma_start3A_907 = tpu.memref_slice %arg8[%mul3A_900] : memref<1600xi32, #tpu.memory_space<vmem>> -> memref<320xi32, #tpu.memory_space<vmem>>
      %dma_start3A_908 = arith.constant 0 : i32
      %dma_start3A_909 = arith.constant 0 : i32
      %dma_start3A_910 = tpu.memref_slice %arg4[%dma_start3A_908, %dma_start3A_909] : memref<1000000x32xf32, #tpu.memory_space<hbm>> -> memref<1000000x32xf32, #tpu.memory_space<hbm>>
      tpu.enqueue_indirect_dma source(%dma_start3A_910 : memref<1000000x32xf32, #tpu.memory_space<hbm>>) target(%dma_start3A_906 : memref<320x32xf32, #tpu.memory_space<vmem>>) offsets(%dma_start3A_907 : memref<320xi32, #tpu.memory_space<vmem>>) semaphore(%arg12 : memref<!tpu.dma_semaphore, #tpu.memory_space<semaphore_mem>>)
    }
    %scan3A_424 = arith.constant 73 : i32
    %add3A_425 = arith.constant 24960 : i32
    %add3A_426 = arith.addi %mul3A_2, %add3A_425 : i32
    %rem3A_427 = arith.constant 78 : i32
    %rem3A_428 = arith.constant 6 : i32
    %rem3A_429 = arith.remsi %rem3A_427, %rem3A_428 : i32
    %mul3A_430 = arith.constant 320 : i32
    %mul3A_431 = arith.muli %rem3A_429, %mul3A_430 : i32
    %dma_wait3A_432 = tpu.memref_slice %arg7[%mul3A_431] : memref<1920xi32, #tpu.memory_space<vmem>> -> memref<320xi32, #tpu.memory_space<vmem>>
    %dma_wait3A_433 = tpu.memref_slice %arg2[%add3A_426] : memref<819200xi32, #tpu.memory_space<hbm>> -> memref<320xi32, #tpu.memory_space<hbm>>
    %dma_wait3A_434 = tpu.memref_slice %arg7[%mul3A_431] : memref<1920xi32, #tpu.memory_space<vmem>> -> memref<320xi32, #tpu.memory_space<vmem>>
    %dma_wait3A_435 = tpu.memref_slice %arg2[%add3A_426] : memref<819200xi32, #tpu.memory_space<hbm>> -> memref<320xi32, #tpu.memory_space<hbm>>
    tpu.wait_dma2 semaphore(%arg10 : memref<!tpu.dma_semaphore, #tpu.memory_space<semaphore_mem>>) src(%dma_wait3A_435 : memref<320xi32, #tpu.memory_space<hbm>>) dst(%dma_wait3A_434 : memref<320xi32, #tpu.memory_space<vmem>>)
    %rem3A_436 = arith.constant 78 : i32
    %rem3A_437 = arith.constant 6 : i32
    %rem3A_438 = arith.remsi %rem3A_436, %rem3A_437 : i32
    %mul3A_439 = arith.constant 320 : i32
    %mul3A_440 = arith.muli %rem3A_438, %mul3A_439 : i32
    %rem3A_441 = arith.constant 78 : i32
    %rem3A_442 = arith.constant 5 : i32
    %rem3A_443 = arith.remsi %rem3A_441, %rem3A_442 : i32
    %mul3A_444 = arith.constant 320 : i32
    %mul3A_445 = arith.muli %rem3A_443, %mul3A_444 : i32
    %dma_start3A_446 = tpu.memref_slice %arg8[%mul3A_445] : memref<1600xi32, #tpu.memory_space<vmem>> -> memref<320xi32, #tpu.memory_space<vmem>>
    %dma_start3A_447 = tpu.memref_slice %arg7[%mul3A_440] : memref<1920xi32, #tpu.memory_space<vmem>> -> memref<320xi32, #tpu.memory_space<vmem>>
    %dma_start3A_448 = arith.constant 0 : i32
    %dma_start3A_449 = tpu.memref_slice %arg6[%dma_start3A_448] : memref<1000000xi32, #tpu.memory_space<vmem_shared>> -> memref<1000000xi32, #tpu.memory_space<vmem_shared>>
    tpu.enqueue_indirect_dma source(%dma_start3A_449 : memref<1000000xi32, #tpu.memory_space<vmem_shared>>) target(%dma_start3A_446 : memref<320xi32, #tpu.memory_space<vmem>>) offsets(%dma_start3A_447 : memref<320xi32, #tpu.memory_space<vmem>>) semaphore(%arg11 : memref<!tpu.dma_semaphore, #tpu.memory_space<semaphore_mem>>)
    %rem3A_450 = arith.constant 75 : i32
    %rem3A_451 = arith.constant 5 : i32
    %rem3A_452 = arith.remsi %rem3A_450, %rem3A_451 : i32
    %mul3A_453 = arith.constant 320 : i32
    %mul3A_454 = arith.muli %rem3A_452, %mul3A_453 : i32
    %rem3A_455 = arith.constant 75 : i32
    %rem3A_456 = arith.constant 5 : i32
    %rem3A_457 = arith.remsi %rem3A_455, %rem3A_456 : i32
    %mul3A_458 = arith.constant 320 : i32
    %mul3A_459 = arith.muli %rem3A_457, %mul3A_458 : i32
    %dma_wait3A_460 = arith.constant 0 : i32
    %dma_wait3A_461 = tpu.memref_slice %arg9[%mul3A_459, %dma_wait3A_460] : memref<1600x32xf32, #tpu.memory_space<vmem>> -> memref<320x32xf32, #tpu.memory_space<vmem>>
    %dma_wait3A_462 = tpu.memref_slice %arg8[%mul3A_454] : memref<1600xi32, #tpu.memory_space<vmem>> -> memref<320xi32, #tpu.memory_space<vmem>>
    %dma_wait3A_463 = arith.constant 0 : i32
    %dma_wait3A_464 = arith.constant 0 : i32
    %dma_wait3A_465 = tpu.memref_slice %arg4[%dma_wait3A_463, %dma_wait3A_464] : memref<1000000x32xf32, #tpu.memory_space<hbm>> -> memref<1000000x32xf32, #tpu.memory_space<hbm>>
    tpu.wait_indirect_dma semaphore(%arg12 : memref<!tpu.dma_semaphore, #tpu.memory_space<semaphore_mem>>) src(%dma_wait3A_465 : memref<1000000x32xf32, #tpu.memory_space<hbm>>) dst(%dma_wait3A_461 : memref<320x32xf32, #tpu.memory_space<vmem>>)
    %add3A_466 = arith.constant 24000 : i32
    %add3A_467 = arith.addi %mul3A_2, %add3A_466 : i32
    %rem3A_468 = arith.constant 75 : i32
    %rem3A_469 = arith.constant 5 : i32
    %rem3A_470 = arith.remsi %rem3A_468, %rem3A_469 : i32
    %mul3A_471 = arith.constant 320 : i32
    %mul3A_472 = arith.muli %rem3A_470, %mul3A_471 : i32
    %dma_start3A_473 = arith.constant 0 : i32
    %dma_start3A_474 = tpu.memref_slice %arg9[%mul3A_472, %dma_start3A_473] : memref<1600x32xf32, #tpu.memory_space<vmem>> -> memref<320x32xf32, #tpu.memory_space<vmem>>
    %dma_start3A_475 = arith.constant 0 : i32
    %dma_start3A_476 = tpu.memref_slice %arg5[%add3A_467, %dma_start3A_475] : memref<819200x32xf32, #tpu.memory_space<hbm>> -> memref<320x32xf32, #tpu.memory_space<hbm>>
    %dma_start3A_477 = arith.constant 0 : i32
    %dma_start3A_478 = tpu.memref_slice %arg5[%add3A_467, %dma_start3A_477] : memref<819200x32xf32, #tpu.memory_space<hbm>> -> memref<320x32xf32, #tpu.memory_space<hbm>>
    %dma_start3A_479 = arith.constant 0 : i32
    %dma_start3A_480 = tpu.memref_slice %arg9[%mul3A_472, %dma_start3A_479] : memref<1600x32xf32, #tpu.memory_space<vmem>> -> memref<320x32xf32, #tpu.memory_space<vmem>>
    tpu.enqueue_dma source(%dma_start3A_480 : memref<320x32xf32, #tpu.memory_space<vmem>>) target(%dma_start3A_478 : memref<320x32xf32, #tpu.memory_space<hbm>>) target_semaphore(%arg13 : memref<!tpu.dma_semaphore, #tpu.memory_space<semaphore_mem>>)
    %rem3A_481 = arith.constant 78 : i32
    %rem3A_482 = arith.constant 6 : i32
    %rem3A_483 = arith.remsi %rem3A_481, %rem3A_482 : i32
    %mul3A_484 = arith.constant 320 : i32
    %mul3A_485 = arith.muli %rem3A_483, %mul3A_484 : i32
    %rem3A_486 = arith.constant 78 : i32
    %rem3A_487 = arith.constant 5 : i32
    %rem3A_488 = arith.remsi %rem3A_486, %rem3A_487 : i32
    %mul3A_489 = arith.constant 320 : i32
    %mul3A_490 = arith.muli %rem3A_488, %mul3A_489 : i32
    %dma_wait3A_491 = tpu.memref_slice %arg8[%mul3A_490] : memref<1600xi32, #tpu.memory_space<vmem>> -> memref<320xi32, #tpu.memory_space<vmem>>
    %dma_wait3A_492 = tpu.memref_slice %arg7[%mul3A_485] : memref<1920xi32, #tpu.memory_space<vmem>> -> memref<320xi32, #tpu.memory_space<vmem>>
    %dma_wait3A_493 = arith.constant 0 : i32
    %dma_wait3A_494 = tpu.memref_slice %arg6[%dma_wait3A_493] : memref<1000000xi32, #tpu.memory_space<vmem_shared>> -> memref<1000000xi32, #tpu.memory_space<vmem_shared>>
    tpu.wait_indirect_dma semaphore(%arg11 : memref<!tpu.dma_semaphore, #tpu.memory_space<semaphore_mem>>) src(%dma_wait3A_494 : memref<1000000xi32, #tpu.memory_space<vmem_shared>>) dst(%dma_wait3A_491 : memref<320xi32, #tpu.memory_space<vmem>>)
    %add3A_495 = arith.constant 23360 : i32
    %add3A_496 = arith.addi %mul3A_2, %add3A_495 : i32
    %rem3A_497 = arith.constant 73 : i32
    %rem3A_498 = arith.constant 5 : i32
    %rem3A_499 = arith.remsi %rem3A_497, %rem3A_498 : i32
    %mul3A_500 = arith.constant 320 : i32
    %mul3A_501 = arith.muli %rem3A_499, %mul3A_500 : i32
    %dma_wait3A_502 = arith.constant 0 : i32
    %dma_wait3A_503 = tpu.memref_slice %arg9[%mul3A_501, %dma_wait3A_502] : memref<1600x32xf32, #tpu.memory_space<vmem>> -> memref<320x32xf32, #tpu.memory_space<vmem>>
    %dma_wait3A_504 = arith.constant 0 : i32
    %dma_wait3A_505 = tpu.memref_slice %arg5[%add3A_496, %dma_wait3A_504] : memref<819200x32xf32, #tpu.memory_space<hbm>> -> memref<320x32xf32, #tpu.memory_space<hbm>>
    %dma_wait3A_506 = arith.constant 0 : i32
    %dma_wait3A_507 = tpu.memref_slice %arg5[%add3A_496, %dma_wait3A_506] : memref<819200x32xf32, #tpu.memory_space<hbm>> -> memref<320x32xf32, #tpu.memory_space<hbm>>
    %dma_wait3A_508 = arith.constant 0 : i32
    %dma_wait3A_509 = tpu.memref_slice %arg9[%mul3A_501, %dma_wait3A_508] : memref<1600x32xf32, #tpu.memory_space<vmem>> -> memref<320x32xf32, #tpu.memory_space<vmem>>
    tpu.wait_dma2 semaphore(%arg13 : memref<!tpu.dma_semaphore, #tpu.memory_space<semaphore_mem>>) src(%dma_wait3A_509 : memref<320x32xf32, #tpu.memory_space<vmem>>) dst(%dma_wait3A_507 : memref<320x32xf32, #tpu.memory_space<hbm>>)
    %rem3A_510 = arith.constant 78 : i32
    %rem3A_511 = arith.constant 5 : i32
    %rem3A_512 = arith.remsi %rem3A_510, %rem3A_511 : i32
    %mul3A_513 = arith.constant 320 : i32
    %mul3A_514 = arith.muli %rem3A_512, %mul3A_513 : i32
    %rem3A_515 = arith.constant 78 : i32
    %rem3A_516 = arith.constant 5 : i32
    %rem3A_517 = arith.remsi %rem3A_515, %rem3A_516 : i32
    %mul3A_518 = arith.constant 320 : i32
    %mul3A_519 = arith.muli %rem3A_517, %mul3A_518 : i32
    %dma_start3A_520 = arith.constant 0 : i32
    %dma_start3A_521 = tpu.memref_slice %arg9[%mul3A_519, %dma_start3A_520] : memref<1600x32xf32, #tpu.memory_space<vmem>> -> memref<320x32xf32, #tpu.memory_space<vmem>>
    %dma_start3A_522 = tpu.memref_slice %arg8[%mul3A_514] : memref<1600xi32, #tpu.memory_space<vmem>> -> memref<320xi32, #tpu.memory_space<vmem>>
    %dma_start3A_523 = arith.constant 0 : i32
    %dma_start3A_524 = arith.constant 0 : i32
    %dma_start3A_525 = tpu.memref_slice %arg4[%dma_start3A_523, %dma_start3A_524] : memref<1000000x32xf32, #tpu.memory_space<hbm>> -> memref<1000000x32xf32, #tpu.memory_space<hbm>>
    tpu.enqueue_indirect_dma source(%dma_start3A_525 : memref<1000000x32xf32, #tpu.memory_space<hbm>>) target(%dma_start3A_521 : memref<320x32xf32, #tpu.memory_space<vmem>>) offsets(%dma_start3A_522 : memref<320xi32, #tpu.memory_space<vmem>>) semaphore(%arg12 : memref<!tpu.dma_semaphore, #tpu.memory_space<semaphore_mem>>)
    %add3A_526 = arith.constant 25280 : i32
    %add3A_527 = arith.addi %mul3A_2, %add3A_526 : i32
    %rem3A_528 = arith.constant 79 : i32
    %rem3A_529 = arith.constant 6 : i32
    %rem3A_530 = arith.remsi %rem3A_528, %rem3A_529 : i32
    %mul3A_531 = arith.constant 320 : i32
    %mul3A_532 = arith.muli %rem3A_530, %mul3A_531 : i32
    %dma_wait3A_533 = tpu.memref_slice %arg7[%mul3A_532] : memref<1920xi32, #tpu.memory_space<vmem>> -> memref<320xi32, #tpu.memory_space<vmem>>
    %dma_wait3A_534 = tpu.memref_slice %arg2[%add3A_527] : memref<819200xi32, #tpu.memory_space<hbm>> -> memref<320xi32, #tpu.memory_space<hbm>>
    %dma_wait3A_535 = tpu.memref_slice %arg7[%mul3A_532] : memref<1920xi32, #tpu.memory_space<vmem>> -> memref<320xi32, #tpu.memory_space<vmem>>
    %dma_wait3A_536 = tpu.memref_slice %arg2[%add3A_527] : memref<819200xi32, #tpu.memory_space<hbm>> -> memref<320xi32, #tpu.memory_space<hbm>>
    tpu.wait_dma2 semaphore(%arg10 : memref<!tpu.dma_semaphore, #tpu.memory_space<semaphore_mem>>) src(%dma_wait3A_536 : memref<320xi32, #tpu.memory_space<hbm>>) dst(%dma_wait3A_535 : memref<320xi32, #tpu.memory_space<vmem>>)
    %rem3A_537 = arith.constant 79 : i32
    %rem3A_538 = arith.constant 6 : i32
    %rem3A_539 = arith.remsi %rem3A_537, %rem3A_538 : i32
    %mul3A_540 = arith.constant 320 : i32
    %mul3A_541 = arith.muli %rem3A_539, %mul3A_540 : i32
    %rem3A_542 = arith.constant 79 : i32
    %rem3A_543 = arith.constant 5 : i32
    %rem3A_544 = arith.remsi %rem3A_542, %rem3A_543 : i32
    %mul3A_545 = arith.constant 320 : i32
    %mul3A_546 = arith.muli %rem3A_544, %mul3A_545 : i32
    %dma_start3A_547 = tpu.memref_slice %arg8[%mul3A_546] : memref<1600xi32, #tpu.memory_space<vmem>> -> memref<320xi32, #tpu.memory_space<vmem>>
    %dma_start3A_548 = tpu.memref_slice %arg7[%mul3A_541] : memref<1920xi32, #tpu.memory_space<vmem>> -> memref<320xi32, #tpu.memory_space<vmem>>
    %dma_start3A_549 = arith.constant 0 : i32
    %dma_start3A_550 = tpu.memref_slice %arg6[%dma_start3A_549] : memref<1000000xi32, #tpu.memory_space<vmem_shared>> -> memref<1000000xi32, #tpu.memory_space<vmem_shared>>
    tpu.enqueue_indirect_dma source(%dma_start3A_550 : memref<1000000xi32, #tpu.memory_space<vmem_shared>>) target(%dma_start3A_547 : memref<320xi32, #tpu.memory_space<vmem>>) offsets(%dma_start3A_548 : memref<320xi32, #tpu.memory_space<vmem>>) semaphore(%arg11 : memref<!tpu.dma_semaphore, #tpu.memory_space<semaphore_mem>>)
    %rem3A_551 = arith.constant 76 : i32
    %rem3A_552 = arith.constant 5 : i32
    %rem3A_553 = arith.remsi %rem3A_551, %rem3A_552 : i32
    %mul3A_554 = arith.constant 320 : i32
    %mul3A_555 = arith.muli %rem3A_553, %mul3A_554 : i32
    %rem3A_556 = arith.constant 76 : i32
    %rem3A_557 = arith.constant 5 : i32
    %rem3A_558 = arith.remsi %rem3A_556, %rem3A_557 : i32
    %mul3A_559 = arith.constant 320 : i32
    %mul3A_560 = arith.muli %rem3A_558, %mul3A_559 : i32
    %dma_wait3A_561 = arith.constant 0 : i32
    %dma_wait3A_562 = tpu.memref_slice %arg9[%mul3A_560, %dma_wait3A_561] : memref<1600x32xf32, #tpu.memory_space<vmem>> -> memref<320x32xf32, #tpu.memory_space<vmem>>
    %dma_wait3A_563 = tpu.memref_slice %arg8[%mul3A_555] : memref<1600xi32, #tpu.memory_space<vmem>> -> memref<320xi32, #tpu.memory_space<vmem>>
    %dma_wait3A_564 = arith.constant 0 : i32
    %dma_wait3A_565 = arith.constant 0 : i32
    %dma_wait3A_566 = tpu.memref_slice %arg4[%dma_wait3A_564, %dma_wait3A_565] : memref<1000000x32xf32, #tpu.memory_space<hbm>> -> memref<1000000x32xf32, #tpu.memory_space<hbm>>
    tpu.wait_indirect_dma semaphore(%arg12 : memref<!tpu.dma_semaphore, #tpu.memory_space<semaphore_mem>>) src(%dma_wait3A_566 : memref<1000000x32xf32, #tpu.memory_space<hbm>>) dst(%dma_wait3A_562 : memref<320x32xf32, #tpu.memory_space<vmem>>)
    %add3A_567 = arith.constant 24320 : i32
    %add3A_568 = arith.addi %mul3A_2, %add3A_567 : i32
    %rem3A_569 = arith.constant 76 : i32
    %rem3A_570 = arith.constant 5 : i32
    %rem3A_571 = arith.remsi %rem3A_569, %rem3A_570 : i32
    %mul3A_572 = arith.constant 320 : i32
    %mul3A_573 = arith.muli %rem3A_571, %mul3A_572 : i32
    %dma_start3A_574 = arith.constant 0 : i32
    %dma_start3A_575 = tpu.memref_slice %arg9[%mul3A_573, %dma_start3A_574] : memref<1600x32xf32, #tpu.memory_space<vmem>> -> memref<320x32xf32, #tpu.memory_space<vmem>>
    %dma_start3A_576 = arith.constant 0 : i32
    %dma_start3A_577 = tpu.memref_slice %arg5[%add3A_568, %dma_start3A_576] : memref<819200x32xf32, #tpu.memory_space<hbm>> -> memref<320x32xf32, #tpu.memory_space<hbm>>
    %dma_start3A_578 = arith.constant 0 : i32
    %dma_start3A_579 = tpu.memref_slice %arg5[%add3A_568, %dma_start3A_578] : memref<819200x32xf32, #tpu.memory_space<hbm>> -> memref<320x32xf32, #tpu.memory_space<hbm>>
    %dma_start3A_580 = arith.constant 0 : i32
    %dma_start3A_581 = tpu.memref_slice %arg9[%mul3A_573, %dma_start3A_580] : memref<1600x32xf32, #tpu.memory_space<vmem>> -> memref<320x32xf32, #tpu.memory_space<vmem>>
    tpu.enqueue_dma source(%dma_start3A_581 : memref<320x32xf32, #tpu.memory_space<vmem>>) target(%dma_start3A_579 : memref<320x32xf32, #tpu.memory_space<hbm>>) target_semaphore(%arg13 : memref<!tpu.dma_semaphore, #tpu.memory_space<semaphore_mem>>)
    %rem3A_582 = arith.constant 79 : i32
    %rem3A_583 = arith.constant 6 : i32
    %rem3A_584 = arith.remsi %rem3A_582, %rem3A_583 : i32
    %mul3A_585 = arith.constant 320 : i32
    %mul3A_586 = arith.muli %rem3A_584, %mul3A_585 : i32
    %rem3A_587 = arith.constant 79 : i32
    %rem3A_588 = arith.constant 5 : i32
    %rem3A_589 = arith.remsi %rem3A_587, %rem3A_588 : i32
    %mul3A_590 = arith.constant 320 : i32
    %mul3A_591 = arith.muli %rem3A_589, %mul3A_590 : i32
    %dma_wait3A_592 = tpu.memref_slice %arg8[%mul3A_591] : memref<1600xi32, #tpu.memory_space<vmem>> -> memref<320xi32, #tpu.memory_space<vmem>>
    %dma_wait3A_593 = tpu.memref_slice %arg7[%mul3A_586] : memref<1920xi32, #tpu.memory_space<vmem>> -> memref<320xi32, #tpu.memory_space<vmem>>
    %dma_wait3A_594 = arith.constant 0 : i32
    %dma_wait3A_595 = tpu.memref_slice %arg6[%dma_wait3A_594] : memref<1000000xi32, #tpu.memory_space<vmem_shared>> -> memref<1000000xi32, #tpu.memory_space<vmem_shared>>
    tpu.wait_indirect_dma semaphore(%arg11 : memref<!tpu.dma_semaphore, #tpu.memory_space<semaphore_mem>>) src(%dma_wait3A_595 : memref<1000000xi32, #tpu.memory_space<vmem_shared>>) dst(%dma_wait3A_592 : memref<320xi32, #tpu.memory_space<vmem>>)
    %add3A_596 = arith.constant 23680 : i32
    %add3A_597 = arith.addi %mul3A_2, %add3A_596 : i32
    %rem3A_598 = arith.constant 74 : i32
    %rem3A_599 = arith.constant 5 : i32
    %rem3A_600 = arith.remsi %rem3A_598, %rem3A_599 : i32
    %mul3A_601 = arith.constant 320 : i32
    %mul3A_602 = arith.muli %rem3A_600, %mul3A_601 : i32
    %dma_wait3A_603 = arith.constant 0 : i32
    %dma_wait3A_604 = tpu.memref_slice %arg9[%mul3A_602, %dma_wait3A_603] : memref<1600x32xf32, #tpu.memory_space<vmem>> -> memref<320x32xf32, #tpu.memory_space<vmem>>
    %dma_wait3A_605 = arith.constant 0 : i32
    %dma_wait3A_606 = tpu.memref_slice %arg5[%add3A_597, %dma_wait3A_605] : memref<819200x32xf32, #tpu.memory_space<hbm>> -> memref<320x32xf32, #tpu.memory_space<hbm>>
    %dma_wait3A_607 = arith.constant 0 : i32
    %dma_wait3A_608 = tpu.memref_slice %arg5[%add3A_597, %dma_wait3A_607] : memref<819200x32xf32, #tpu.memory_space<hbm>> -> memref<320x32xf32, #tpu.memory_space<hbm>>
    %dma_wait3A_609 = arith.constant 0 : i32
    %dma_wait3A_610 = tpu.memref_slice %arg9[%mul3A_602, %dma_wait3A_609] : memref<1600x32xf32, #tpu.memory_space<vmem>> -> memref<320x32xf32, #tpu.memory_space<vmem>>
    tpu.wait_dma2 semaphore(%arg13 : memref<!tpu.dma_semaphore, #tpu.memory_space<semaphore_mem>>) src(%dma_wait3A_610 : memref<320x32xf32, #tpu.memory_space<vmem>>) dst(%dma_wait3A_608 : memref<320x32xf32, #tpu.memory_space<hbm>>)
    %rem3A_611 = arith.constant 79 : i32
    %rem3A_612 = arith.constant 5 : i32
    %rem3A_613 = arith.remsi %rem3A_611, %rem3A_612 : i32
    %mul3A_614 = arith.constant 320 : i32
    %mul3A_615 = arith.muli %rem3A_613, %mul3A_614 : i32
    %rem3A_616 = arith.constant 79 : i32
    %rem3A_617 = arith.constant 5 : i32
    %rem3A_618 = arith.remsi %rem3A_616, %rem3A_617 : i32
    %mul3A_619 = arith.constant 320 : i32
    %mul3A_620 = arith.muli %rem3A_618, %mul3A_619 : i32
    %dma_start3A_621 = arith.constant 0 : i32
    %dma_start3A_622 = tpu.memref_slice %arg9[%mul3A_620, %dma_start3A_621] : memref<1600x32xf32, #tpu.memory_space<vmem>> -> memref<320x32xf32, #tpu.memory_space<vmem>>
    %dma_start3A_623 = tpu.memref_slice %arg8[%mul3A_615] : memref<1600xi32, #tpu.memory_space<vmem>> -> memref<320xi32, #tpu.memory_space<vmem>>
    %dma_start3A_624 = arith.constant 0 : i32
    %dma_start3A_625 = arith.constant 0 : i32
    %dma_start3A_626 = tpu.memref_slice %arg4[%dma_start3A_624, %dma_start3A_625] : memref<1000000x32xf32, #tpu.memory_space<hbm>> -> memref<1000000x32xf32, #tpu.memory_space<hbm>>
    tpu.enqueue_indirect_dma source(%dma_start3A_626 : memref<1000000x32xf32, #tpu.memory_space<hbm>>) target(%dma_start3A_622 : memref<320x32xf32, #tpu.memory_space<vmem>>) offsets(%dma_start3A_623 : memref<320xi32, #tpu.memory_space<vmem>>) semaphore(%arg12 : memref<!tpu.dma_semaphore, #tpu.memory_space<semaphore_mem>>)
    %rem3A_627 = arith.constant 77 : i32
    %rem3A_628 = arith.constant 5 : i32
    %rem3A_629 = arith.remsi %rem3A_627, %rem3A_628 : i32
    %mul3A_630 = arith.constant 320 : i32
    %mul3A_631 = arith.muli %rem3A_629, %mul3A_630 : i32
    %rem3A_632 = arith.constant 77 : i32
    %rem3A_633 = arith.constant 5 : i32
    %rem3A_634 = arith.remsi %rem3A_632, %rem3A_633 : i32
    %mul3A_635 = arith.constant 320 : i32
    %mul3A_636 = arith.muli %rem3A_634, %mul3A_635 : i32
    %dma_wait3A_637 = arith.constant 0 : i32
    %dma_wait3A_638 = tpu.memref_slice %arg9[%mul3A_636, %dma_wait3A_637] : memref<1600x32xf32, #tpu.memory_space<vmem>> -> memref<320x32xf32, #tpu.memory_space<vmem>>
    %dma_wait3A_639 = tpu.memref_slice %arg8[%mul3A_631] : memref<1600xi32, #tpu.memory_space<vmem>> -> memref<320xi32, #tpu.memory_space<vmem>>
    %dma_wait3A_640 = arith.constant 0 : i32
    %dma_wait3A_641 = arith.constant 0 : i32
    %dma_wait3A_642 = tpu.memref_slice %arg4[%dma_wait3A_640, %dma_wait3A_641] : memref<1000000x32xf32, #tpu.memory_space<hbm>> -> memref<1000000x32xf32, #tpu.memory_space<hbm>>
    tpu.wait_indirect_dma semaphore(%arg12 : memref<!tpu.dma_semaphore, #tpu.memory_space<semaphore_mem>>) src(%dma_wait3A_642 : memref<1000000x32xf32, #tpu.memory_space<hbm>>) dst(%dma_wait3A_638 : memref<320x32xf32, #tpu.memory_space<vmem>>)
    %add3A_643 = arith.constant 24640 : i32
    %add3A_644 = arith.addi %mul3A_2, %add3A_643 : i32
    %rem3A_645 = arith.constant 77 : i32
    %rem3A_646 = arith.constant 5 : i32
    %rem3A_647 = arith.remsi %rem3A_645, %rem3A_646 : i32
    %mul3A_648 = arith.constant 320 : i32
    %mul3A_649 = arith.muli %rem3A_647, %mul3A_648 : i32
    %dma_start3A_650 = arith.constant 0 : i32
    %dma_start3A_651 = tpu.memref_slice %arg9[%mul3A_649, %dma_start3A_650] : memref<1600x32xf32, #tpu.memory_space<vmem>> -> memref<320x32xf32, #tpu.memory_space<vmem>>
    %dma_start3A_652 = arith.constant 0 : i32
    %dma_start3A_653 = tpu.memref_slice %arg5[%add3A_644, %dma_start3A_652] : memref<819200x32xf32, #tpu.memory_space<hbm>> -> memref<320x32xf32, #tpu.memory_space<hbm>>
    %dma_start3A_654 = arith.constant 0 : i32
    %dma_start3A_655 = tpu.memref_slice %arg5[%add3A_644, %dma_start3A_654] : memref<819200x32xf32, #tpu.memory_space<hbm>> -> memref<320x32xf32, #tpu.memory_space<hbm>>
    %dma_start3A_656 = arith.constant 0 : i32
    %dma_start3A_657 = tpu.memref_slice %arg9[%mul3A_649, %dma_start3A_656] : memref<1600x32xf32, #tpu.memory_space<vmem>> -> memref<320x32xf32, #tpu.memory_space<vmem>>
    tpu.enqueue_dma source(%dma_start3A_657 : memref<320x32xf32, #tpu.memory_space<vmem>>) target(%dma_start3A_655 : memref<320x32xf32, #tpu.memory_space<hbm>>) target_semaphore(%arg13 : memref<!tpu.dma_semaphore, #tpu.memory_space<semaphore_mem>>)
    %rem3A_658 = arith.constant 78 : i32
    %rem3A_659 = arith.constant 5 : i32
    %rem3A_660 = arith.remsi %rem3A_658, %rem3A_659 : i32
    %mul3A_661 = arith.constant 320 : i32
    %mul3A_662 = arith.muli %rem3A_660, %mul3A_661 : i32
    %rem3A_663 = arith.constant 78 : i32
    %rem3A_664 = arith.constant 5 : i32
    %rem3A_665 = arith.remsi %rem3A_663, %rem3A_664 : i32
    %mul3A_666 = arith.constant 320 : i32
    %mul3A_667 = arith.muli %rem3A_665, %mul3A_666 : i32
    %dma_wait3A_668 = arith.constant 0 : i32
    %dma_wait3A_669 = tpu.memref_slice %arg9[%mul3A_667, %dma_wait3A_668] : memref<1600x32xf32, #tpu.memory_space<vmem>> -> memref<320x32xf32, #tpu.memory_space<vmem>>
    %dma_wait3A_670 = tpu.memref_slice %arg8[%mul3A_662] : memref<1600xi32, #tpu.memory_space<vmem>> -> memref<320xi32, #tpu.memory_space<vmem>>
    %dma_wait3A_671 = arith.constant 0 : i32
    %dma_wait3A_672 = arith.constant 0 : i32
    %dma_wait3A_673 = tpu.memref_slice %arg4[%dma_wait3A_671, %dma_wait3A_672] : memref<1000000x32xf32, #tpu.memory_space<hbm>> -> memref<1000000x32xf32, #tpu.memory_space<hbm>>
    tpu.wait_indirect_dma semaphore(%arg12 : memref<!tpu.dma_semaphore, #tpu.memory_space<semaphore_mem>>) src(%dma_wait3A_673 : memref<1000000x32xf32, #tpu.memory_space<hbm>>) dst(%dma_wait3A_669 : memref<320x32xf32, #tpu.memory_space<vmem>>)
    %add3A_674 = arith.constant 24960 : i32
    %add3A_675 = arith.addi %mul3A_2, %add3A_674 : i32
    %rem3A_676 = arith.constant 78 : i32
    %rem3A_677 = arith.constant 5 : i32
    %rem3A_678 = arith.remsi %rem3A_676, %rem3A_677 : i32
    %mul3A_679 = arith.constant 320 : i32
    %mul3A_680 = arith.muli %rem3A_678, %mul3A_679 : i32
    %dma_start3A_681 = arith.constant 0 : i32
    %dma_start3A_682 = tpu.memref_slice %arg9[%mul3A_680, %dma_start3A_681] : memref<1600x32xf32, #tpu.memory_space<vmem>> -> memref<320x32xf32, #tpu.memory_space<vmem>>
    %dma_start3A_683 = arith.constant 0 : i32
    %dma_start3A_684 = tpu.memref_slice %arg5[%add3A_675, %dma_start3A_683] : memref<819200x32xf32, #tpu.memory_space<hbm>> -> memref<320x32xf32, #tpu.memory_space<hbm>>
    %dma_start3A_685 = arith.constant 0 : i32
    %dma_start3A_686 = tpu.memref_slice %arg5[%add3A_675, %dma_start3A_685] : memref<819200x32xf32, #tpu.memory_space<hbm>> -> memref<320x32xf32, #tpu.memory_space<hbm>>
    %dma_start3A_687 = arith.constant 0 : i32
    %dma_start3A_688 = tpu.memref_slice %arg9[%mul3A_680, %dma_start3A_687] : memref<1600x32xf32, #tpu.memory_space<vmem>> -> memref<320x32xf32, #tpu.memory_space<vmem>>
    tpu.enqueue_dma source(%dma_start3A_688 : memref<320x32xf32, #tpu.memory_space<vmem>>) target(%dma_start3A_686 : memref<320x32xf32, #tpu.memory_space<hbm>>) target_semaphore(%arg13 : memref<!tpu.dma_semaphore, #tpu.memory_space<semaphore_mem>>)
    %rem3A_689 = arith.constant 79 : i32
    %rem3A_690 = arith.constant 5 : i32
    %rem3A_691 = arith.remsi %rem3A_689, %rem3A_690 : i32
    %mul3A_692 = arith.constant 320 : i32
    %mul3A_693 = arith.muli %rem3A_691, %mul3A_692 : i32
    %rem3A_694 = arith.constant 79 : i32
    %rem3A_695 = arith.constant 5 : i32
    %rem3A_696 = arith.remsi %rem3A_694, %rem3A_695 : i32
    %mul3A_697 = arith.constant 320 : i32
    %mul3A_698 = arith.muli %rem3A_696, %mul3A_697 : i32
    %dma_wait3A_699 = arith.constant 0 : i32
    %dma_wait3A_700 = tpu.memref_slice %arg9[%mul3A_698, %dma_wait3A_699] : memref<1600x32xf32, #tpu.memory_space<vmem>> -> memref<320x32xf32, #tpu.memory_space<vmem>>
    %dma_wait3A_701 = tpu.memref_slice %arg8[%mul3A_693] : memref<1600xi32, #tpu.memory_space<vmem>> -> memref<320xi32, #tpu.memory_space<vmem>>
    %dma_wait3A_702 = arith.constant 0 : i32
    %dma_wait3A_703 = arith.constant 0 : i32
    %dma_wait3A_704 = tpu.memref_slice %arg4[%dma_wait3A_702, %dma_wait3A_703] : memref<1000000x32xf32, #tpu.memory_space<hbm>> -> memref<1000000x32xf32, #tpu.memory_space<hbm>>
    tpu.wait_indirect_dma semaphore(%arg12 : memref<!tpu.dma_semaphore, #tpu.memory_space<semaphore_mem>>) src(%dma_wait3A_704 : memref<1000000x32xf32, #tpu.memory_space<hbm>>) dst(%dma_wait3A_700 : memref<320x32xf32, #tpu.memory_space<vmem>>)
    %add3A_705 = arith.constant 25280 : i32
    %add3A_706 = arith.addi %mul3A_2, %add3A_705 : i32
    %rem3A_707 = arith.constant 79 : i32
    %rem3A_708 = arith.constant 5 : i32
    %rem3A_709 = arith.remsi %rem3A_707, %rem3A_708 : i32
    %mul3A_710 = arith.constant 320 : i32
    %mul3A_711 = arith.muli %rem3A_709, %mul3A_710 : i32
    %dma_start3A_712 = arith.constant 0 : i32
    %dma_start3A_713 = tpu.memref_slice %arg9[%mul3A_711, %dma_start3A_712] : memref<1600x32xf32, #tpu.memory_space<vmem>> -> memref<320x32xf32, #tpu.memory_space<vmem>>
    %dma_start3A_714 = arith.constant 0 : i32
    %dma_start3A_715 = tpu.memref_slice %arg5[%add3A_706, %dma_start3A_714] : memref<819200x32xf32, #tpu.memory_space<hbm>> -> memref<320x32xf32, #tpu.memory_space<hbm>>
    %dma_start3A_716 = arith.constant 0 : i32
    %dma_start3A_717 = tpu.memref_slice %arg5[%add3A_706, %dma_start3A_716] : memref<819200x32xf32, #tpu.memory_space<hbm>> -> memref<320x32xf32, #tpu.memory_space<hbm>>
    %dma_start3A_718 = arith.constant 0 : i32
    %dma_start3A_719 = tpu.memref_slice %arg9[%mul3A_711, %dma_start3A_718] : memref<1600x32xf32, #tpu.memory_space<vmem>> -> memref<320x32xf32, #tpu.memory_space<vmem>>
    tpu.enqueue_dma source(%dma_start3A_719 : memref<320x32xf32, #tpu.memory_space<vmem>>) target(%dma_start3A_717 : memref<320x32xf32, #tpu.memory_space<hbm>>) target_semaphore(%arg13 : memref<!tpu.dma_semaphore, #tpu.memory_space<semaphore_mem>>)
    %add3A_720 = arith.constant 24000 : i32
    %add3A_721 = arith.addi %mul3A_2, %add3A_720 : i32
    %rem3A_722 = arith.constant 75 : i32
    %rem3A_723 = arith.constant 5 : i32
    %rem3A_724 = arith.remsi %rem3A_722, %rem3A_723 : i32
    %mul3A_725 = arith.constant 320 : i32
    %mul3A_726 = arith.muli %rem3A_724, %mul3A_725 : i32
    %dma_wait3A_727 = arith.constant 0 : i32
    %dma_wait3A_728 = tpu.memref_slice %arg9[%mul3A_726, %dma_wait3A_727] : memref<1600x32xf32, #tpu.memory_space<vmem>> -> memref<320x32xf32, #tpu.memory_space<vmem>>
    %dma_wait3A_729 = arith.constant 0 : i32
    %dma_wait3A_730 = tpu.memref_slice %arg5[%add3A_721, %dma_wait3A_729] : memref<819200x32xf32, #tpu.memory_space<hbm>> -> memref<320x32xf32, #tpu.memory_space<hbm>>
    %dma_wait3A_731 = arith.constant 0 : i32
    %dma_wait3A_732 = tpu.memref_slice %arg5[%add3A_721, %dma_wait3A_731] : memref<819200x32xf32, #tpu.memory_space<hbm>> -> memref<320x32xf32, #tpu.memory_space<hbm>>
    %dma_wait3A_733 = arith.constant 0 : i32
    %dma_wait3A_734 = tpu.memref_slice %arg9[%mul3A_726, %dma_wait3A_733] : memref<1600x32xf32, #tpu.memory_space<vmem>> -> memref<320x32xf32, #tpu.memory_space<vmem>>
    tpu.wait_dma2 semaphore(%arg13 : memref<!tpu.dma_semaphore, #tpu.memory_space<semaphore_mem>>) src(%dma_wait3A_734 : memref<320x32xf32, #tpu.memory_space<vmem>>) dst(%dma_wait3A_732 : memref<320x32xf32, #tpu.memory_space<hbm>>)
    %add3A_735 = arith.constant 24320 : i32
    %add3A_736 = arith.addi %mul3A_2, %add3A_735 : i32
    %rem3A_737 = arith.constant 76 : i32
    %rem3A_738 = arith.constant 5 : i32
    %rem3A_739 = arith.remsi %rem3A_737, %rem3A_738 : i32
    %mul3A_740 = arith.constant 320 : i32
    %mul3A_741 = arith.muli %rem3A_739, %mul3A_740 : i32
    %dma_wait3A_742 = arith.constant 0 : i32
    %dma_wait3A_743 = tpu.memref_slice %arg9[%mul3A_741, %dma_wait3A_742] : memref<1600x32xf32, #tpu.memory_space<vmem>> -> memref<320x32xf32, #tpu.memory_space<vmem>>
    %dma_wait3A_744 = arith.constant 0 : i32
    %dma_wait3A_745 = tpu.memref_slice %arg5[%add3A_736, %dma_wait3A_744] : memref<819200x32xf32, #tpu.memory_space<hbm>> -> memref<320x32xf32, #tpu.memory_space<hbm>>
    %dma_wait3A_746 = arith.constant 0 : i32
    %dma_wait3A_747 = tpu.memref_slice %arg5[%add3A_736, %dma_wait3A_746] : memref<819200x32xf32, #tpu.memory_space<hbm>> -> memref<320x32xf32, #tpu.memory_space<hbm>>
    %dma_wait3A_748 = arith.constant 0 : i32
    %dma_wait3A_749 = tpu.memref_slice %arg9[%mul3A_741, %dma_wait3A_748] : memref<1600x32xf32, #tpu.memory_space<vmem>> -> memref<320x32xf32, #tpu.memory_space<vmem>>
    tpu.wait_dma2 semaphore(%arg13 : memref<!tpu.dma_semaphore, #tpu.memory_space<semaphore_mem>>) src(%dma_wait3A_749 : memref<320x32xf32, #tpu.memory_space<vmem>>) dst(%dma_wait3A_747 : memref<320x32xf32, #tpu.memory_space<hbm>>)
    %add3A_750 = arith.constant 24640 : i32
    %add3A_751 = arith.addi %mul3A_2, %add3A_750 : i32
    %rem3A_752 = arith.constant 77 : i32
    %rem3A_753 = arith.constant 5 : i32
    %rem3A_754 = arith.remsi %rem3A_752, %rem3A_753 : i32
    %mul3A_755 = arith.constant 320 : i32
    %mul3A_756 = arith.muli %rem3A_754, %mul3A_755 : i32
    %dma_wait3A_757 = arith.constant 0 : i32
    %dma_wait3A_758 = tpu.memref_slice %arg9[%mul3A_756, %dma_wait3A_757] : memref<1600x32xf32, #tpu.memory_space<vmem>> -> memref<320x32xf32, #tpu.memory_space<vmem>>
    %dma_wait3A_759 = arith.constant 0 : i32
    %dma_wait3A_760 = tpu.memref_slice %arg5[%add3A_751, %dma_wait3A_759] : memref<819200x32xf32, #tpu.memory_space<hbm>> -> memref<320x32xf32, #tpu.memory_space<hbm>>
    %dma_wait3A_761 = arith.constant 0 : i32
    %dma_wait3A_762 = tpu.memref_slice %arg5[%add3A_751, %dma_wait3A_761] : memref<819200x32xf32, #tpu.memory_space<hbm>> -> memref<320x32xf32, #tpu.memory_space<hbm>>
    %dma_wait3A_763 = arith.constant 0 : i32
    %dma_wait3A_764 = tpu.memref_slice %arg9[%mul3A_756, %dma_wait3A_763] : memref<1600x32xf32, #tpu.memory_space<vmem>> -> memref<320x32xf32, #tpu.memory_space<vmem>>
    tpu.wait_dma2 semaphore(%arg13 : memref<!tpu.dma_semaphore, #tpu.memory_space<semaphore_mem>>) src(%dma_wait3A_764 : memref<320x32xf32, #tpu.memory_space<vmem>>) dst(%dma_wait3A_762 : memref<320x32xf32, #tpu.memory_space<hbm>>)
    %add3A_765 = arith.constant 24960 : i32
    %add3A_766 = arith.addi %mul3A_2, %add3A_765 : i32
    %rem3A_767 = arith.constant 78 : i32
    %rem3A_768 = arith.constant 5 : i32
    %rem3A_769 = arith.remsi %rem3A_767, %rem3A_768 : i32
    %mul3A_770 = arith.constant 320 : i32
    %mul3A_771 = arith.muli %rem3A_769, %mul3A_770 : i32
    %dma_wait3A_772 = arith.constant 0 : i32
    %dma_wait3A_773 = tpu.memref_slice %arg9[%mul3A_771, %dma_wait3A_772] : memref<1600x32xf32, #tpu.memory_space<vmem>> -> memref<320x32xf32, #tpu.memory_space<vmem>>
    %dma_wait3A_774 = arith.constant 0 : i32
    %dma_wait3A_775 = tpu.memref_slice %arg5[%add3A_766, %dma_wait3A_774] : memref<819200x32xf32, #tpu.memory_space<hbm>> -> memref<320x32xf32, #tpu.memory_space<hbm>>
    %dma_wait3A_776 = arith.constant 0 : i32
    %dma_wait3A_777 = tpu.memref_slice %arg5[%add3A_766, %dma_wait3A_776] : memref<819200x32xf32, #tpu.memory_space<hbm>> -> memref<320x32xf32, #tpu.memory_space<hbm>>
    %dma_wait3A_778 = arith.constant 0 : i32
    %dma_wait3A_779 = tpu.memref_slice %arg9[%mul3A_771, %dma_wait3A_778] : memref<1600x32xf32, #tpu.memory_space<vmem>> -> memref<320x32xf32, #tpu.memory_space<vmem>>
    tpu.wait_dma2 semaphore(%arg13 : memref<!tpu.dma_semaphore, #tpu.memory_space<semaphore_mem>>) src(%dma_wait3A_779 : memref<320x32xf32, #tpu.memory_space<vmem>>) dst(%dma_wait3A_777 : memref<320x32xf32, #tpu.memory_space<hbm>>)
    %add3A_780 = arith.constant 25280 : i32
    %add3A_781 = arith.addi %mul3A_2, %add3A_780 : i32
    %rem3A_782 = arith.constant 79 : i32
    %rem3A_783 = arith.constant 5 : i32
    %rem3A_784 = arith.remsi %rem3A_782, %rem3A_783 : i32
    %mul3A_785 = arith.constant 320 : i32
    %mul3A_786 = arith.muli %rem3A_784, %mul3A_785 : i32
    %dma_wait3A_787 = arith.constant 0 : i32
    %dma_wait3A_788 = tpu.memref_slice %arg9[%mul3A_786, %dma_wait3A_787] : memref<1600x32xf32, #tpu.memory_space<vmem>> -> memref<320x32xf32, #tpu.memory_space<vmem>>
    %dma_wait3A_789 = arith.constant 0 : i32
    %dma_wait3A_790 = tpu.memref_slice %arg5[%add3A_781, %dma_wait3A_789] : memref<819200x32xf32, #tpu.memory_space<hbm>> -> memref<320x32xf32, #tpu.memory_space<hbm>>
    %dma_wait3A_791 = arith.constant 0 : i32
    %dma_wait3A_792 = tpu.memref_slice %arg5[%add3A_781, %dma_wait3A_791] : memref<819200x32xf32, #tpu.memory_space<hbm>> -> memref<320x32xf32, #tpu.memory_space<hbm>>
    %dma_wait3A_793 = arith.constant 0 : i32
    %dma_wait3A_794 = tpu.memref_slice %arg9[%mul3A_786, %dma_wait3A_793] : memref<1600x32xf32, #tpu.memory_space<vmem>> -> memref<320x32xf32, #tpu.memory_space<vmem>>
    tpu.wait_dma2 semaphore(%arg13 : memref<!tpu.dma_semaphore, #tpu.memory_space<semaphore_mem>>) src(%dma_wait3A_794 : memref<320x32xf32, #tpu.memory_space<vmem>>) dst(%dma_wait3A_792 : memref<320x32xf32, #tpu.memory_space<hbm>>)
    return
  }
}

</mosaic_0001>

<sc_bundles>
// kernel: kernel.3.cloned.1.call-start
scs
__scs_entry_jumppad:
0x0: {  	(pc) =	sbr.rel $0x88, $3  }
0x1: {  	(tag) =	ssettag $0x0;
	lr =	simm.s32 $0x1  }
0x2: {  	[smem:$0x3F9E] =	sst lr;
	_ =	strace $0xD0000000  }
0x3: {  	_ = 	snop  }
0x4: {  	_ = 	snop  }
0x5: {  	_ = 	snop  }
0x6: {  	_ = 	snop  }
0x7: {  	_ = 	snop  }
__scs_overlays_trampoline_lowered:
0x8: {  	[smem:$0x3FAD] =	sst s0  }
0x9: {  	[smem:$0x3FAE] =	sst s1  }
0xa: {  	[smem:$0x3FAF] =	sst s2  }
0xb: {  	[smem:$0x3FB0] =	sst s3  }
0xc: {  	[smem:$0x3FB1] =	sst s4  }
0xd: {  	[smem:$0x3FB2] =	sst s5  }
0xe: {  	[smem:$0x3FB3] =	sst s6  }
0xf: {  	[smem:$0x3FB4] =	sst s7  }
0x10: {  	[smem:$0x3FB5] =	sst s8  }
0x11: {  	[smem:$0x3FB6] =	sst s9;
	s0 =	simm.s32 @!p0 $0x0  }
0x12: {  	s1 =	sld [smem:$0x3F9C];
	s0 =	simm.s32 @p0 $0x1  }
0x13: {  	[smem:$0x3FB7] =	sst s0;
	s0 =	simm.s32 @!p1 $0x0  }
0x14: {  	s2 =	sld [smem:$0x3F9B];
	s0 =	simm.s32 @p1 $0x1  }
0x15: {  	[smem:$0x3FB8] =	sst s0;
	s0 =	simm.s32 @!p2 $0x0  }
0x16: {  	s3 =	sld [smem:$0x3FDB];
	s0 =	simm.s32 @p2 $0x1  }
0x17: {  	s4 =	simm.s32 $0x1BF5;
	[smem:$0x3FBA] =	sst s0  }
0x18: {  	s0 =	sld [smem:$0x3F9D];
	_ =	swait.ge [sflag:s4], $0x0  }
0x19: {  	s7 =	sld [smem:$0x3F9E]  }
0x1a: {  	s8 =	sadd.s32 $0xFFFFE003, lr  }
0x1b: {  	s9 =	sadd.s32 $0xFFFFFEF7, lr;
	s5 =	simm.s32 $0xFFFFFFFF;
	p2 =	slt.u32 s8, $0xFFFFF086  }
0x1c: {  	p1 =	slt.u32 s9, $0xF7A;
	s5 =	simm.s32 @!p2 $0x0  }
0x1d: {  	s5 =	simm.s32 @p1 $0x1;
	p0 =	seq.s32 s7, s2  }
0x1e: {  	s7 =	smul.u32 @!p0 $0xF7A, s2;
	p2 =	seq.s32 @!p0 s5, $0x0  }
0x1f: {  	s9 =	smul.u32 $0xF7A, s1;
	s8 =	simm.s32 @!p0 $0x1BF5;
	p2 =	por !p2, p0  }
0x20: {  	[sflag:s8] =	ssyncset.s32 @!p0 $0xFFFFF086;
	s6 =	sadd.s32 @!p0 s3, s7;
	s7 =	simm.s32 @!p0 $0x108  }
0x21: {  	s3 =	sadd.s32 s3, s9;
	s6 =	sadd.s32 @!p0 $0x88, s6;
	s7 =	simm.s32 @p2 $0x1082  }
0x22: {  	[simem:s7], [sflag:s8] =	dma.local @!p0 [hbm:s6], $0xF7A  }
0x23: {  	s9 =	sor.u32 $0xD0000000, s2;
	s6 =	simm.s32 $0x108;
	_ =	swait.ge @!p0 [sflag:s8], $0x0  }
0x24: {  	s3 =	sadd.s32 $0x88, s3;
	s6 =	simm.s32 @!p1 $0x1082;
	[sflag:s4] =	ssyncset.s32 $0xFFFFF086  }
0x25: {  	[simem:s6], [sflag:s4] =	dma.local [hbm:s3], $0xF7A  }
0x26: {  	[smem:$0x3F9E] =	sst s1;
	(tag) =	ssettag s2;
	_ =	strace s9  }
0x27: {  	s1 =	sld [smem:$0x3FAE]  }
0x28: {  	s2 =	sld [smem:$0x3FAF]  }
0x29: {  	s4 =	sld [smem:$0x3FB1]  }
0x2a: {  	p0 =	seq.s32 s5, $0x0;
	s5 =	sld [smem:$0x3FB2]  }
0x2b: {  	s6 =	sld [smem:$0x3FB3]  }
0x2c: {  	s7 =	sld [smem:$0x3FB4]  }
0x2d: {  	s3 =	simm.s32 $0x108;
	s8 =	sld [smem:$0x3FB5]  }
0x2e: {  	s3 =	simm.s32 @!p0 $0x1082;
	s9 =	sld [smem:$0x3FB6]  }
0x2f: {  	lr =	sadd.s32 s0, s3;
	s0 =	sld [smem:$0x3FAD]  }
0x30: {  	s3 =	sld [smem:$0x3FB0]  }
0x31: {  	[smem:$0x3FB9] =	sst s10  }
0x32: {  	s10 =	sld [smem:$0x3FB7];
	_ =	sdelay $0x3  }
0x33: {  	p0 =	seq.s32 s10, $0x1;
	s10 =	sld [smem:$0x3FB9];
	_ =	sdelay $0x3  }
0x34: {  	[smem:$0x3FB9] =	sst s10  }
0x35: {  	s10 =	sld [smem:$0x3FB8];
	_ =	sdelay $0x3  }
0x36: {  	p1 =	seq.s32 s10, $0x1;
	s10 =	sld [smem:$0x3FB9];
	_ =	sdelay $0x3  }
0x37: {  	[smem:$0x3FB9] =	sst s10  }
0x38: {  	s10 =	sld [smem:$0x3FBA]  }
0x39: {  	_ = 	snop;
	(pc) =	sbr.ind lr, $3  }
0x3a: {  	_ = 	snop  }
0x3b: {  	_ = 	snop  }
0x3c: {  	p2 =	seq.s32 s10, $0x1;
	s10 =	sld [smem:$0x3FB9]  }
0x3d: {  	_ =	shalt  }
0x3e: {  	_ =	shalt  }
0x3f: {  	_ =	shalt  }
0x40: {  	_ =	shalt  }
0x41: {  	_ =	shalt  }
0x42: {  	_ =	shalt  }
0x43: {  	_ =	shalt  }
0x44: {  	_ =	shalt  }
0x45: {  	_ =	shalt  }
0x46: {  	_ =	shalt  }
0x47: {  	_ =	shalt  }
0x48: {  	_ =	shalt  }
0x49: {  	_ =	shalt  }
0x4a: {  	_ =	shalt  }
0x4b: {  	_ =	shalt  }
0x4c: {  	_ =	shalt  }
0x4d: {  	_ =	shalt  }
0x4e: {  	_ =	shalt  }
0x4f: {  	_ =	shalt  }
0x50: {  	_ =	shalt  }
0x51: {  	_ =	shalt  }
0x52: {  	_ =	shalt  }
0x53: {  	_ =	shalt  }
0x54: {  	_ =	shalt  }
0x55: {  	_ =	shalt  }
0x56: {  	_ =	shalt  }
0x57: {  	_ =	shalt  }
0x58: {  	_ =	shalt  }
0x59: {  	_ =	shalt  }
0x5a: {  	_ =	shalt  }
0x5b: {  	_ =	shalt  }
0x5c: {  	_ =	shalt  }
0x5d: {  	_ =	shalt  }
0x5e: {  	_ =	shalt  }
0x5f: {  	_ =	shalt  }
0x60: {  	_ =	shalt  }
0x61: {  	_ =	shalt  }
0x62: {  	_ =	shalt  }
0x63: {  	_ =	shalt  }
0x64: {  	_ =	shalt  }
0x65: {  	_ =	shalt  }
0x66: {  	_ =	shalt  }
0x67: {  	_ =	shalt  }
0x68: {  	_ =	shalt  }
0x69: {  	_ =	shalt  }
0x6a: {  	_ =	shalt  }
0x6b: {  	_ =	shalt  }
0x6c: {  	_ =	shalt  }
0x6d: {  	_ =	shalt  }
0x6e: {  	_ =	shalt  }
0x6f: {  	_ =	shalt  }
0x70: {  	_ =	shalt  }
0x71: {  	_ =	shalt  }
0x72: {  	_ =	shalt  }
0x73: {  	_ =	shalt  }
0x74: {  	_ =	shalt  }
0x75: {  	_ =	shalt  }
0x76: {  	_ =	shalt  }
0x77: {  	_ =	shalt  }
0x78: {  	_ =	shalt  }
0x79: {  	_ =	shalt  }
0x7a: {  	_ =	shalt  }
0x7b: {  	_ =	shalt  }
0x7c: {  	_ =	shalt  }
0x7d: {  	_ =	shalt  }
0x7e: {  	_ =	shalt  }
0x7f: {  	_ =	shalt  }
0x80: {  	_ =	shalt  }
0x81: {  	_ =	shalt  }
0x82: {  	_ =	shalt  }
0x83: {  	_ =	shalt  }
0x84: {  	_ =	shalt  }
0x85: {  	_ =	shalt  }
0x86: {  	_ =	shalt  }
0x87: {  	_ =	shalt  }
.Lfunc_end0:
.L_simem_size_0:
called_computation.1_lowered:
.L_overlay_start_0:
0x88: {  	s2 =	sld [smem:$0x3FD9]  }
0x89: {  	s3 =	sld [smem:$0x3FFE];
	_ =	sdelay $0x1  }
0x8a: {  	s1 =	srdreg.scid  }
0x8b: {  	s0 =	sand.u32 $0x1, s1  }
0x8c: {  	s17 =	sshll.u32 s0, $0xA;
	s2 =	sadd.s32 s3, s2  }
0x8d: {  	s2 =	sadd.s32 s2, s17  }
0x8e: {  	[smem:$0x3FC5] =	sst s2  }
0x8f: {  	_ = 	snop  }
0x90: {  	s2 =	sld [smem:$0x3FC8]  }
0x91: {  	s18 =	sld [smem:$0x3FD0];
	(tm) =	ssettm $0x1  }
0x92: {  	s4 =	sld [smem:$0x3FFB];
	_ =	sdelay $0x3  }
0x93: {  	_ =	strace s4  }
0x94: {  	s4 =	sld [smem:$0x3FFC];
	_ =	sdelay $0x3  }
0x95: {  	_ =	strace s4  }
0x96: {  	s4 =	sld [smem:$0x3FFD];
	_ =	sdelay $0x3  }
0x97: {  	_ =	strace s4  }
0x98: {  	_ =	strace $0x8FFFFFFF  }
0x99: {  	s19 =	sld [smem:$0x3FDB];
	_ =	sdelay $0x1  }
0x9a: {  	s5 =	simm.s32 $_scs_section_size  }
0x9b: {  	s6 =	simm.s32 $_size__tile_overlayer_lowered;
	s7 =	simm.s32 $_tile_overlayer_lowered  }
0x9c: {  	s22 =	simm.s32 $0x1BFF;
	s21 =	sshll.u32 s7, $0x1;
	s4 =	sadd.s32 s5, s19  }
0x9d: {  	s8 =	simm.s32 $0x0;
	s20 =	sshll.u32 s6, $0x1;
	s6 =	sadd.s32 s21, s4  }
0x9e: {  	[timem:s8], [sflag:s22] =	dma.local [hbm:s6], s20  }
0x9f: {  	_ =	swait.ge [sflag:s22], s20  }
0xa0: {  	s5 =	ssub.s32 $0x0, s20;
	[sflag:s22] =	ssyncset.done $0x0  }
0xa1: {  	[sflag:s22] =	ssyncadd.s32 s5;
	_ =	sdelay $0x1  }
0xa2: {  	s23 =	simm.s32 $0x1B8B  }
0xa3: {  	_ =	swait.ge [sflag:s23], $0x1  }
0xa4: {  	[sflag:s23] =	ssyncset.done $0x0  }
0xa5: {  	s25 =	simm.s32 $0x1B8E;
	s24 =	sld [smem:$0x3FFE];
	[sflag:s23] =	ssyncadd.s32 $0xFFFFFFFF  }
0xa6: {  	s26 =	simm.s32 $execute0_lowered;
	[smem:$0x3FD2] =	sst s25  }
0xa7: {  	s6 =	sshll.u32 s26, $0x1;
	_ =	strace $0x80000046;
	[dreg:$0x1] =	wrdreg $0xFFFFFFFF  }
0xa8: {  	s28 =	simm.s32 $_size_execute0_lowered;
	s4 =	sadd.s32 s4, s6;
	[dreg:$0x0] =	wrdreg $0x0  }
0xa9: {  	s6 =	sshll.u32 s28, $0x1;
	[dreg:$0x2] =	wrdreg s4  }
0xaa: {  	[dreg:$0x3] =	wrdreg s6  }
0xab: {  	[dreg:$0x4] =	wrdreg $0xC0  }
0xac: {  	_ =	task [dreg:s8], $0x5FFFF  }
0xad: {  	[dreg:$0x1] =	wrdreg $0xFFFFFFFF  }
0xae: {  	[dreg:$0x0] =	wrdreg $0x60  }
0xaf: {  	[dreg:$0x2] =	wrdreg s24  }
0xb0: {  	[dreg:$0x3] =	wrdreg s2  }
0xb1: {  	[dreg:$0x4] =	wrdreg s18  }
0xb2: {  	[dreg:$0x5] =	wrdreg $0x0  }
0xb3: {  	[dreg:$0x6] =	wrdreg $0x9  }
0xb4: {  	_ =	task.clear_ibuf [dreg:s8], $0x7FFFF;
	_ =	strace $0x90000046  }
0xb5: {  	s29 =	simm.s32 $0x9;
	_ =	strace $0x80000048  }
0xb6: {  	_ =	swait.ge [sflag:s29], $0x1  }
0xb7: {  	[sflag:s29] =	ssyncadd.s32 $0xFFFFFFFF  }
0xb8: {  	_ =	strace $0x90000048  }
0xb9: {  	_ =	sfence  }
0xba: {  	s30 =	sld [smem:$0x0];
	_ =	sdelay $0x2  }
0xbb: {  	s31 =	sshll.u32 s1, $0xD;
	s1 =	sshrl.u32 s1, $0x2  }
0xbc: {  	s3 =	sand.u32 $0x4000, s31;
	s1 =	sadd.s32 s1, s30  }
0xbd: {  	s0 =	sor.u32 s3, s0;
	s1 =	sshll.u32 s1, $0x11  }
0xbe: {  	s0 =	sor.u32 s1, s0  }
0xbf: {  	s0 =	sadd.s32 $0x8F2B, s0  }
0xc0: {  	[sflag:s0] =	ssyncadd.remote.s32 $0x1  }
0xc1: {  	_ =	sfence.sel $0xFFFF  }
0xc2: {  	[dreg:$0x0] =	wrdreg $0xFFFFFFFF;
	(pc) =	sbr.abs _section_cstart, $3  }
0xc3: {  	[dreg:$0x1] =	wrdreg $0xFFFFFFFF  }
0xc4: {  	_ =	task.clear_ibuf [dreg:s8], $0x2FFFF;
	_ =	strace $0x9FFFFFFF  }
0xc5: {  	(tm) =	ssettm $0x7FFFFFFF  }
tec
execute0_lowered:
.L_overlay_start_1:
0x0: {  	(tag) =	ssettag $0x1  }
0x1: {  	s0 =	rddreg [dreg:$0x0]  }
0x2: {  	s2 =	rddreg [dreg:$0x1]  }
0x3: {  	s5 =	rddreg [dreg:$0x2]  }
0x4: {  	s1 =	rddreg [dreg:$0x3];
	s3 =	simm.s32 $0x0;
	s4 =	srdreg.scid  }
0x5: {  	s14 =	stileid.u32;
	s31 =	simm.s32 $0x1;
	[smem:$0x7FF] =	sst s3  }
0x6: {  	s6 =	sadd.s32 $0xA00, s0;
	s8 =	sand.u32 $0x1, s4;
	s23 =	sshll.u32 s14, $0x1  }
0x7: {  	s10 =	smul.u32 $0xF420, s14;
	s4 =	sadd.s32 $0xF42E00, s0;
	s13 =	sadd.s32 $0xE4DE0, s1  }
0x8: {  	s21 =	smul.u32 $0xC800, s14;
	p0 =	seq.s32 s14, $0xF;
	s14 =	simm.s32 $0x3  }
0x9: {  	s7 =	ssub.s32 $0x2, s8;
	s9 =	sor.u32 s8, s23;
	s8 =	smul.u32 $0x6400, s8  }
0xa: {  	_ =	strace $0x80000047;
	s24 =	sshrl.u32 s7, $0x1;
	s11 =	smul.u32 $0x6400, s9  }
0xb: {  	s12 =	sadd.s32 s10, s1;
	s25 =	sshrl.u32 s10, $0x3;
	s16 =	smul.u32 $0x19000, s9  }
0xc: {  	s9 =	smul.u32 $0xC8000, s9;
	s0 =	ssub.s32 s7, s24;
	s7 =	sadd.s32 s2, s25  }
0xd: {  	s2 =	sadd.s32 $0x1C9BC, s2;
	s8 =	sadd.s32 s8, s21;
	[dreg:$0x5] =	wrdreg s7  }
0xe: {  	s21 =	simm.s32 $0x151E8;
	[dreg:$0x6] =	wrdreg s2;
	s2 =	sadd.s32 s5, s16  }
0xf: {  	s28 =	sshrl.u32 s11, $0x3;
	s0 =	smax.u32 s0, $0x1;
	[dreg:$0xd] =	wrdreg s2  }
0x10: {  	s26 =	sor.u32 $0x140, s11;
	s30 =	sadd.s32 s6, s28;
	[dreg:$0x15] =	wrdreg s0  }
0x11: {  	s29 =	sshrl.u32 s26, $0x3;
	s0 =	sshrl.u32 @p0 s13, $0x3;
	[dreg:$0x7] =	wrdreg s30  }
0x12: {  	s22 =	sshrl.u32 s9, $0x3;
	s15 =	sadd.s32 s6, s29;
	[dreg:$0x16] =	wrdreg s0  }
0x13: {  	s9 =	simm.s32 $0x129E8;
	s17 =	sadd.s32 $0x50, s30;
	[dreg:$0x8] =	wrdreg s15  }
0x14: {  	s16 =	simm.s32 $0x100A8;
	s18 =	sadd.s32 $0x78, s30;
	[dreg:$0x9] =	wrdreg s17  }
0x15: {  	s23 =	sshll.u32 s26, $0x2;
	s19 =	sadd.s32 $0xA0, s30;
	[dreg:$0xa] =	wrdreg s18  }
0x16: {  	s2 =	sadd.s32 s5, s22;
	s20 =	sadd.s32 $0xC8, s30;
	[dreg:$0xb] =	wrdreg s19  }
0x17: {  	s28 =	sshll.u32 s8, $0x2;
	s7 =	sadd.s32 $0xF0, s30;
	[dreg:$0xc] =	wrdreg s20  }
0x18: {  	s8 =	sadd.s32 $0x8C0, s8;
	s24 =	sadd.s32 s5, s23;
	[dreg:$0xe] =	wrdreg s7  }
0x19: {  	s13 =	simm.s32 $0xFF68;
	s25 =	sadd.s32 $0x17700, s2;
	[dreg:$0xf] =	wrdreg s24  }
0x1a: {  	s26 =	sadd.s32 $0x17C00, s2;
	s5 =	sadd.s32 s28, s5;
	[dreg:$0x10] =	wrdreg s25  }
0x1b: {  	s29 =	sadd.s32 $0x18100, s2;
	s8 =	sshrl.u32 s8, $0x3;
	[dreg:$0x11] =	wrdreg s26  }
0x1c: {  	s30 =	sadd.s32 $0x18600, s2;
	s2 =	sadd.s32 $0x18B00, s2;
	[dreg:$0x12] =	wrdreg s29  }
0x1d: {  	s0 =	sshrl.u32 @!p0 s12, $0x3;
	s12 =	simm.s32 $0x101E8;
	[dreg:$0x13] =	wrdreg s30  }
0x1e: {  	s19 =	sadd.s32 s8, s6;
	[dreg:$0x14] =	wrdreg s2;
	s10 =	sadd.s32 $0xA00, s5  }
0x1f: {  	[dreg:$0x17] =	wrdreg s0;
	s26 =	simm.s32 $0xF428;
	s8 =	simm.s32 $0xF568  }
0x20: {  	s0 =	simm.s32 $0x140;
	s6 =	simm.s32 $0x2;
	s15 =	simm.s32 $0x179E8  }
0x21: {  	s17 =	simm.s32 $0x1A1E8;
	s18 =	simm.s32 $0x4;
	s20 =	simm.s32 $0x0  }
.LBB2_1:
0x22: {  	s5 =	rddreg [dreg:$0x6]  }
0x23: {  	s2 =	simm.s32 @p0 $0x1FC5;
	s7 =	rddreg [dreg:$0x16]  }
0x24: {  	[spmem:s7], [sflag:s2] =	dma.local @p0 [hbm:s5], $0x1E8C  }
0x25: {  	s2 =	simm.s32 @p0 $0x5  }
0x26: {  	s5 =	stileid.u32;
	_ =	swait.ge @p0 [sflag:s2], $0x1E8C  }
0x27: {  	s5 =	sshll.u32 @!p0 s5, $0x6;
	[sflag:s2] =	ssyncset.done @p0 $0x0;
	s7 =	rddreg [dreg:$0x17]  }
0x28: {  	[sflag:s2] =	ssyncadd.s32 @p0 $0xFFFFE174;
	s2 =	sor.u32 @!p0 $0x1C05, s5;
	s5 =	rddreg [dreg:$0x5]  }
0x29: {  	[spmem:s7], [sflag:s2] =	dma.local @!p0 [hbm:s5], $0x1E84  }
0x2a: {  	s2 =	simm.s32 @!p0 $0x5  }
0x2b: {  	_ =	swait.ge @!p0 [sflag:s2], $0x1E84  }
0x2c: {  	[sflag:s2] =	ssyncset.done @!p0 $0x0  }
0x2d: {  	[sflag:s2] =	ssyncadd.s32 @!p0 $0xFFFFE17C  }
0x2e: {  	[bflag:$0x0] =	sbarrier.arrive $0xFFFF  }
0x2f: {  	s22 =	rddreg [dreg:$0x7]  }
0x30: {  	[tilespmem:s26], [sflag:$0x1] =	stream.linear.gather [hbm4b:s22+s3], $0x140, $0x38;
	[tilespmem:$0x1C9E8] =	vst v63  }
0x31: {  	s23 =	rddreg [dreg:$0x8]  }
0x32: {  	[tilespmem:s8], [sflag:$0x1] =	stream.linear.gather [hbm4b:s23+s3], $0x140, $0x38;
	[tilespmem:$0x1C9E8] =	vst v63  }
0x33: {  	s5 =	simm.s32 $0xF6A8;
	s24 =	rddreg [dreg:$0x9]  }
0x34: {  	[tilespmem:s5], [sflag:$0x1] =	stream.linear.gather [hbm4b:s24+s3], $0x140, $0x38;
	[tilespmem:$0x1C9E8] =	vst v63  }
0x35: {  	s7 =	simm.s32 $0xF7E8;
	s25 =	rddreg [dreg:$0xa]  }
0x36: {  	[tilespmem:s7], [sflag:$0x1] =	stream.linear.gather [hbm4b:s25+s3], $0x140, $0x38;
	[tilespmem:$0x1C9E8] =	vst v63  }
0x37: {  	_ =	swait.ge [sflag:s31], $0x140  }
0x38: {  	[sflag:s31] =	ssyncset.done $0x0  }
0x39: {  	s28 =	simm.s32 $0xFBA8;
	[sflag:s31] =	ssyncadd.s32 $0xFFFFFEC0  }
0x3a: {  	[tilespmem:s28], [sflag:$0x2] =	stream.indirect.gather [spmem:s1], $0x1, s26, s0, $0xb8;
	[tilespmem:$0x1C9E8] =	vst v63  }
0x3b: {  	_ =	swait.ge [sflag:s31], $0x140  }
0x3c: {  	[sflag:s31] =	ssyncset.done $0x0  }
0x3d: {  	s11 =	simm.s32 $0xFCE8;
	[sflag:s31] =	ssyncadd.s32 $0xFFFFFEC0  }
0x3e: {  	[tilespmem:s11], [sflag:$0x2] =	stream.indirect.gather [spmem:s1], $0x1, s8, s0, $0xb8;
	[tilespmem:$0x1C9E8] =	vst v63  }
0x3f: {  	_ =	swait.ge [sflag:s6], $0x140  }
0x40: {  	[sflag:s6] =	ssyncset.done $0x0  }
0x41: {  	[sflag:s6] =	ssyncadd.s32 $0xFFFFFEC0  }
0x42: {  	[tilespmem:s12], [sflag:$0x3] =	stream.indirect.gather [hbm4b:s4+s0], $0x20, s28, s0, $0xb8;
	[tilespmem:$0x1C9E8] =	vst v63  }
0x43: {  	_ =	swait.ge [sflag:s6], $0x140  }
0x44: {  	[sflag:s6] =	ssyncset.done $0x0  }
0x45: {  	[sflag:s6] =	ssyncadd.s32 $0xFFFFFEC0  }
0x46: {  	[tilespmem:s9], [sflag:$0x3] =	stream.indirect.gather [hbm4b:s4+s0], $0x20, s11, s0, $0xb8;
	[tilespmem:$0x1C9E8] =	vst v63  }
0x47: {  	s23 =	simm.s32 $0xF928;
	s22 =	rddreg [dreg:$0xb]  }
0x48: {  	[tilespmem:s23], [sflag:$0x1] =	stream.linear.gather [hbm4b:s22+s3], $0x140, $0x38;
	[tilespmem:$0x1C9E8] =	vst v63  }
0x49: {  	_ =	swait.ge [sflag:s31], $0x140  }
0x4a: {  	[sflag:s31] =	ssyncset.done $0x0  }
0x4b: {  	s24 =	simm.s32 $0xFE28;
	[sflag:s31] =	ssyncadd.s32 $0xFFFFFEC0  }
0x4c: {  	[tilespmem:s24], [sflag:$0x2] =	stream.indirect.gather [spmem:s1], $0x1, s5, s0, $0xb8;
	[tilespmem:$0x1C9E8] =	vst v63  }
0x4d: {  	_ =	swait.ge [sflag:s6], $0x140  }
0x4e: {  	[sflag:s6] =	ssyncset.done $0x0  }
0x4f: {  	[sflag:s6] =	ssyncadd.s32 $0xFFFFFEC0  }
0x50: {  	[tilespmem:s21], [sflag:$0x3] =	stream.indirect.gather [hbm4b:s4+s0], $0x20, s24, s0, $0xb8;
	[tilespmem:$0x1C9E8] =	vst v63  }
0x51: {  	s28 =	simm.s32 $0xFA68;
	s25 =	rddreg [dreg:$0xc]  }
0x52: {  	[tilespmem:s28], [sflag:$0x1] =	stream.linear.gather [hbm4b:s25+s3], $0x140, $0x38;
	[tilespmem:$0x1C9E8] =	vst v63  }
0x53: {  	_ =	swait.ge [sflag:s31], $0x140  }
0x54: {  	[sflag:s31] =	ssyncset.done $0x0  }
0x55: {  	[sflag:s31] =	ssyncadd.s32 $0xFFFFFEC0  }
0x56: {  	[tilespmem:s13], [sflag:$0x2] =	stream.indirect.gather [spmem:s1], $0x1, s7, s0, $0xb8;
	[tilespmem:$0x1C9E8] =	vst v63  }
0x57: {  	_ =	swait.ge [sflag:s14], $0x2800  }
0x58: {  	s22 =	simm.s32 $0x7;
	[sflag:s14] =	ssyncset.done $0x0  }
0x59: {  	s2 =	smul.u32 $0xAB, s22;
	s11 =	rddreg [dreg:$0xd];
	[sflag:s14] =	ssyncadd.s32 $0xFFFFD800  }
0x5a: {  	[hbm4b:s11+s3] =	stream.linear.scatter [tilespmem:s12], [sflag:$0x4], $0x2800, $0x38;
	[tilespmem:$0x1C9E8] =	vst v63  }
0x5b: {  	_ =	swait.ge [sflag:s6], $0x140  }
0x5c: {  	s2 =	sshrl.u32 s2, $0xA;
	[sflag:s6] =	ssyncset.done $0x0  }
0x5d: {  	s2 =	sand.u32 $0x3F, s2;
	[sflag:s6] =	ssyncadd.s32 $0xFFFFFEC0  }
0x5e: {  	[tilespmem:s15], [sflag:$0x3] =	stream.indirect.gather [hbm4b:s4+s0], $0x20, s13, s0, $0xb8;
	[tilespmem:$0x1C9E8] =	vst v63  }
0x5f: {  	s2 =	smul.u32 $0x6, s2;
	s12 =	rddreg [dreg:$0xe]  }
0x60: {  	[tilespmem:s26], [sflag:$0x1] =	stream.linear.gather [hbm4b:s12+s3], $0x140, $0x38;
	[tilespmem:$0x1C9E8] =	vst v63  }
0x61: {  	s2 =	ssub.s32 $0x7, s2;
	_ =	swait.ge [sflag:s31], $0x140  }
0x62: {  	s2 =	sand.u32 $0xFF, s2;
	[sflag:s31] =	ssyncset.done $0x0  }
0x63: {  	s2 =	smul.u32 $0x500, s2;
	s25 =	simm.s32 $0x2;
	[sflag:s31] =	ssyncadd.s32 $0xFFFFFEC0  }
0x64: {  	[tilespmem:s16], [sflag:$0x2] =	stream.indirect.gather [spmem:s1], $0x1, s23, s0, $0xb8;
	[tilespmem:$0x1C9E8] =	vst v63  }
0x65: {  	s12 =	sand.u32 $0xFF, s25;
	s23 =	simm.s32 $0x5;
	_ =	swait.ge [sflag:s14], $0x2800  }
0x66: {  	s12 =	smul.u32 $0xCD, s12;
	s5 =	sand.u32 $0xFF, s23;
	[sflag:s14] =	ssyncset.done $0x0  }
0x67: {  	s21 =	rddreg [dreg:$0xf];
	s24 =	smul.u32 $0xAB, s5;
	[sflag:s14] =	ssyncadd.s32 $0xFFFFD800  }
0x68: {  	[hbm4b:s21+s3] =	stream.linear.scatter [tilespmem:s9], [sflag:$0x4], $0x2800, $0x38;
	[tilespmem:$0x1C9E8] =	vst v63  }
0x69: {  	s5 =	smul.u32 $0xCD, s5;
	s11 =	sshrl.u32 s24, $0xA  }
0x6a: {  	_ =	swait.ge [sflag:s6], $0x140;
	s11 =	smul.u32 $0x6, s11  }
0x6b: {  	s12 =	sshrl.u32 s12, $0xA;
	s5 =	sshrl.u32 s5, $0xA;
	[sflag:s6] =	ssyncset.done $0x0  }
0x6c: {  	s5 =	smul.u32 $0x5, s5;
	[sflag:s6] =	ssyncadd.s32 $0xFFFFFEC0;
	s11 =	ssub.s32 $0x5, s11  }
0x6d: {  	[tilespmem:s17], [sflag:$0x3] =	stream.indirect.gather [hbm4b:s4+s0], $0x20, s16, s0, $0xb8;
	[tilespmem:$0x1C9E8] =	vst v63  }
0x6e: {  	s12 =	smul.u32 $0x5, s12;
	s5 =	ssub.s32 $0x5, s5;
	s11 =	sand.u32 $0xFF, s11  }
0x6f: {  	s29 =	simm.s32 $0x6;
	s5 =	sand.u32 $0xFF, s5;
	s11 =	smul.u32 $0x500, s11  }
0x70: {  	s2 =	sshrl.u32 s2, $0x2;
	s12 =	ssub.s32 $0x2, s12;
	s22 =	smul.u32 $0xA000, s5  }
0x71: {  	s2 =	sadd.s32 $0xF428, s2;
	s28 =	sand.u32 $0xFF, s12;
	s5 =	smul.u32 $0x500, s5  }
0x72: {  	[tilespmem:s2], [sflag:$0x1] =	stream.linear.gather [hbm4b:s19+s3], $0x140, $0x38;
	[tilespmem:$0x1C9E8] =	vst v63  }
0x73: {  	s21 =	simm.s32 $0x8;
	s12 =	smul.u32 $0xA000, s28;
	_ =	swait.ge [sflag:s31], $0x140  }
0x74: {  	s11 =	sshrl.u32 s11, $0x2;
	s5 =	sshrl.u32 s5, $0x2;
	[sflag:s31] =	ssyncset.done $0x0  }
0x75: {  	s11 =	sadd.s32 $0xF428, s11;
	s24 =	sadd.s32 $0xFBA8, s5;
	[sflag:s31] =	ssyncadd.s32 $0xFFFFFEC0  }
0x76: {  	[tilespmem:s24], [sflag:$0x2] =	stream.indirect.gather [spmem:s1], $0x1, s11, s0, $0xb8;
	[tilespmem:$0x1C9E8] =	vst v63  }
0x77: {  	s30 =	sadd.s32 $0x28, s19;
	s23 =	smov.u32 s10;
	s11 =	smul.u32 $0xAB, s21  }
0x78: {  	s2 =	simm.s32 $0x9;
	s25 =	sshrl.u32 s22, $0x2;
	s22 =	sadd.s32 $0x500, s10  }
.LBB2_2:
0x79: {  	s5 =	sshrl.u32 s11, $0xA;
	_ =	swait.ge [sflag:s14], $0x2800  }
0x7a: {  	s11 =	sshrl.u32 s12, $0x2;
	s12 =	smov.u32 s2;
	s7 =	sand.u32 $0xFF, s29  }
0x7b: {  	s5 =	sand.u32 $0x3F, s5;
	[sflag:s14] =	ssyncset.done $0x0;
	s28 =	smul.u32 $0xAB, s7  }
0x7c: {  	s11 =	sadd.s32 $0x101E8, s11;
	s7 =	smul.u32 $0xCD, s7;
	[sflag:s14] =	ssyncadd.s32 $0xFFFFD800  }
0x7d: {  	[hbm4b:s23+s3] =	stream.linear.scatter [tilespmem:s11], [sflag:$0x4], $0x2800, $0x38;
	[tilespmem:$0x1C9E8] =	vst v63  }
0x7e: {  	s11 =	sadd.s32 $0xFFFFFFFE, s2;
	s23 =	smul.u32 $0x6, s5;
	_ =	swait.ge [sflag:s6], $0x140  }
0x7f: {  	s28 =	sshrl.u32 s28, $0xA;
	s7 =	sshrl.u32 s7, $0xA;
	[sflag:s6] =	ssyncset.done $0x0  }
0x80: {  	s5 =	sadd.s32 $0x1, s2;
	s7 =	smul.u32 $0x5, s7;
	[sflag:s6] =	ssyncadd.s32 $0xFFFFFEC0  }
0x81: {  	s25 =	sadd.s32 $0x101E8, s25;
	s28 =	smul.u32 $0x6, s28;
	_ =	swait.ge [sflag:s18], $0x2800  }
0x82: {  	p1 =	sne.s32 s2, $0x4F;
	s23 =	ssub.s32 s21, s23;
	[sflag:s18] =	ssyncset.done $0x0  }
0x83: {  	s2 =	sand.u32 $0xFF, s23;
	s23 =	ssub.s32 s29, s28;
	[sflag:s18] =	ssyncadd.s32 $0xFFFFD800  }
0x84: {  	s7 =	ssub.s32 s29, s7;
	s2 =	smul.u32 $0x500, s2;
	s23 =	sand.u32 $0xFF, s23  }
0x85: {  	s29 =	smov.u32 s11;
	s7 =	sand.u32 $0xFF, s7;
	s23 =	smul.u32 $0x500, s23  }
0x86: {  	s11 =	sadd.s32 $0xFFFFFFFB, s21;
	s8 =	smul.u32 $0xA000, s7;
	s2 =	sshrl.u32 s2, $0x2  }
0x87: {  	s21 =	smov.u32 s12;
	s28 =	sand.u32 $0xFF, s11;
	s7 =	smul.u32 $0x500, s7  }
0x88: {  	[tilespmem:s25], [sflag:$0x3] =	stream.indirect.gather [hbm4b:s4+s0], $0x20, s24, s0, $0xb8;
	[tilespmem:$0x1C9E8] =	vst v63  }
0x89: {  	s2 =	sadd.s32 $0xF428, s2;
	s12 =	sshrl.u32 s23, $0x2;
	s23 =	smul.u32 $0xCD, s28  }
0x8a: {  	[tilespmem:s2], [sflag:$0x1] =	stream.linear.gather [hbm4b:s30+s3], $0x140, $0x38;
	[tilespmem:$0x1C9E8] =	vst v63  }
0x8b: {  	s25 =	sshrl.u32 s8, $0x2;
	s2 =	sshrl.u32 s23, $0xA;
	_ =	swait.ge [sflag:s31], $0x140  }
0x8c: {  	s23 =	smov.u32 s22;
	s2 =	smul.u32 $0x5, s2;
	[sflag:s31] =	ssyncset.done $0x0  }
.Ltmp0:
0x8d: {  	s8 =	sadd.s32 $0xF428, s12;
	[sflag:s31] =	ssyncadd.s32 $0xFFFFFEC0;
	(pc) =	sbr.rel @p1 .LBB2_2-.Ltmp0, $4  }
0x8e: {  	s7 =	sshrl.u32 s7, $0x2;
	s30 =	sadd.s32 $0x28, s30;
	s2 =	ssub.s32 s11, s2  }
0x8f: {  	s24 =	sadd.s32 $0xFBA8, s7;
	s11 =	smul.u32 $0xAB, s21;
	s2 =	sand.u32 $0xFF, s2  }
0x90: {  	s22 =	sadd.s32 $0x500, s22;
	s12 =	smul.u32 $0xA000, s2;
	s2 =	smov.u32 s5  }
0x91: {  	[tilespmem:s24], [sflag:$0x2] =	stream.indirect.gather [spmem:s1], $0x1, s8, s0, $0xb8;
	[tilespmem:$0x1C9E8] =	vst v63  }
0x92: {  	_ =	swait.ge [sflag:s14], $0x2800  }
0x93: {  	s2 =	sshrl.u32 s12, $0x2;
	[sflag:s14] =	ssyncset.done $0x0  }
0x94: {  	s2 =	sadd.s32 $0x101E8, s2;
	[sflag:s14] =	ssyncadd.s32 $0xFFFFD800  }
0x95: {  	[hbm4b:s23+s3] =	stream.linear.scatter [tilespmem:s2], [sflag:$0x4], $0x2800, $0x38;
	[tilespmem:$0x1C9E8] =	vst v63  }
0x96: {  	s23 =	sshrl.u32 s11, $0xA  }
0x97: {  	s2 =	sand.u32 $0x3F, s23;
	_ =	swait.ge [sflag:s6], $0x140  }
0x98: {  	s2 =	smul.u32 $0x6, s2;
	[sflag:s6] =	ssyncset.done $0x0  }
0x99: {  	[sflag:s6] =	ssyncadd.s32 $0xFFFFFEC0  }
0x9a: {  	_ =	swait.ge [sflag:s18], $0x2800;
	s2 =	ssub.s32 s21, s2  }
0x9b: {  	s5 =	sadd.s32 $0x101E8, s25;
	[sflag:s18] =	ssyncset.done $0x0;
	s2 =	sand.u32 $0xFF, s2  }
0x9c: {  	s25 =	sand.u32 $0xFF, s29;
	[sflag:s18] =	ssyncadd.s32 $0xFFFFD800;
	s2 =	smul.u32 $0x500, s2  }
0x9d: {  	[tilespmem:s5], [sflag:$0x3] =	stream.indirect.gather [hbm4b:s4+s0], $0x20, s24, s0, $0xb8;
	[tilespmem:$0x1C9E8] =	vst v63  }
0x9e: {  	s7 =	sadd.s32 $0xFFFFFFFB, s21;
	s5 =	smul.u32 $0xCD, s25  }
0x9f: {  	s28 =	smul.u32 $0xAB, s25;
	s8 =	sand.u32 $0xFF, s7;
	s2 =	sshrl.u32 s2, $0x2  }
0xa0: {  	s8 =	smul.u32 $0xCD, s8;
	s2 =	sadd.s32 $0xF428, s2;
	s5 =	sshrl.u32 s5, $0xA  }
0xa1: {  	[tilespmem:s2], [sflag:$0x1] =	stream.linear.gather [hbm4b:s30+s3], $0x140, $0x38;
	[tilespmem:$0x1C9E8] =	vst v63  }
0xa2: {  	s2 =	sshrl.u32 s28, $0xA;
	s5 =	smul.u32 $0x5, s5  }
0xa3: {  	s2 =	smul.u32 $0x6, s2  }
0xa4: {  	s8 =	sshrl.u32 s8, $0xA;
	s5 =	ssub.s32 s29, s5  }
0xa5: {  	s8 =	smul.u32 $0x5, s8;
	s2 =	ssub.s32 s29, s2;
	s5 =	sand.u32 $0xFF, s5  }
0xa6: {  	s2 =	sand.u32 $0xFF, s2;
	s30 =	smul.u32 $0x500, s5  }
0xa7: {  	s7 =	ssub.s32 s7, s8;
	s2 =	smul.u32 $0x500, s2  }
0xa8: {  	s21 =	sand.u32 $0xFF, s7;
	_ =	swait.ge [sflag:s31], $0x140  }
0xa9: {  	[sflag:s31] =	ssyncset.done $0x0;
	s12 =	sshrl.u32 s30, $0x2;
	s2 =	sshrl.u32 s2, $0x2  }
0xaa: {  	[sflag:s31] =	ssyncadd.s32 $0xFFFFFEC0;
	s8 =	sadd.s32 $0xFBA8, s12;
	s2 =	sadd.s32 $0xF428, s2  }
0xab: {  	[tilespmem:s8], [sflag:$0x2] =	stream.indirect.gather [spmem:s1], $0x1, s2, s0, $0xb8;
	[tilespmem:$0x1C9E8] =	vst v63  }
0xac: {  	s2 =	smul.u32 $0xA000, s21  }
0xad: {  	_ =	swait.ge [sflag:s14], $0x2800  }
0xae: {  	s2 =	sshrl.u32 s2, $0x2;
	[sflag:s14] =	ssyncset.done $0x0  }
0xaf: {  	[sflag:s14] =	ssyncadd.s32 $0xFFFFD800;
	s2 =	sadd.s32 $0x101E8, s2  }
0xb0: {  	[hbm4b:s22+s3] =	stream.linear.scatter [tilespmem:s2], [sflag:$0x4], $0x2800, $0x38;
	[tilespmem:$0x1C9E8] =	vst v63  }
0xb1: {  	_ =	swait.ge [sflag:s6], $0x140  }
0xb2: {  	[sflag:s6] =	ssyncset.done $0x0  }
0xb3: {  	s22 =	smul.u32 $0xA000, s5;
	[sflag:s6] =	ssyncadd.s32 $0xFFFFFEC0  }
0xb4: {  	_ =	swait.ge [sflag:s18], $0x2800  }
0xb5: {  	s2 =	sshrl.u32 s22, $0x2;
	[sflag:s18] =	ssyncset.done $0x0  }
0xb6: {  	s2 =	sadd.s32 $0x101E8, s2;
	[sflag:s18] =	ssyncadd.s32 $0xFFFFD800  }
0xb7: {  	[tilespmem:s2], [sflag:$0x3] =	stream.indirect.gather [hbm4b:s4+s0], $0x20, s8, s0, $0xb8;
	[tilespmem:$0x1C9E8] =	vst v63  }
0xb8: {  	_ =	swait.ge [sflag:s31], $0x140  }
0xb9: {  	[sflag:s31] =	ssyncset.done $0x0  }
0xba: {  	[sflag:s31] =	ssyncadd.s32 $0xFFFFFEC0  }
0xbb: {  	[tilespmem:s13], [sflag:$0x2] =	stream.indirect.gather [spmem:s1], $0x1, s26, s0, $0xb8;
	[tilespmem:$0x1C9E8] =	vst v63  }
0xbc: {  	_ =	swait.ge [sflag:s14], $0x2800  }
0xbd: {  	[sflag:s14] =	ssyncset.done $0x0  }
0xbe: {  	s12 =	simm.s32 $0x101E8;
	s23 =	rddreg [dreg:$0x10];
	[sflag:s14] =	ssyncadd.s32 $0xFFFFD800  }
0xbf: {  	[hbm4b:s23+s3] =	stream.linear.scatter [tilespmem:s12], [sflag:$0x4], $0x2800, $0x38;
	[tilespmem:$0x1C9E8] =	vst v63  }
0xc0: {  	_ =	swait.ge [sflag:s6], $0x140  }
0xc1: {  	[sflag:s6] =	ssyncset.done $0x0  }
0xc2: {  	[sflag:s6] =	ssyncadd.s32 $0xFFFFFEC0  }
0xc3: {  	_ =	swait.ge [sflag:s18], $0x2800  }
0xc4: {  	[sflag:s18] =	ssyncset.done $0x0  }
0xc5: {  	[sflag:s18] =	ssyncadd.s32 $0xFFFFD800  }
0xc6: {  	[tilespmem:s15], [sflag:$0x3] =	stream.indirect.gather [hbm4b:s4+s0], $0x20, s13, s0, $0xb8;
	[tilespmem:$0x1C9E8] =	vst v63  }
0xc7: {  	_ =	swait.ge [sflag:s31], $0x140  }
0xc8: {  	[sflag:s31] =	ssyncset.done $0x0  }
0xc9: {  	s8 =	simm.s32 $0xF568;
	[sflag:s31] =	ssyncadd.s32 $0xFFFFFEC0  }
0xca: {  	[tilespmem:s16], [sflag:$0x2] =	stream.indirect.gather [spmem:s1], $0x1, s8, s0, $0xb8;
	[tilespmem:$0x1C9E8] =	vst v63  }
0xcb: {  	_ =	swait.ge [sflag:s14], $0x2800  }
0xcc: {  	[sflag:s14] =	ssyncset.done $0x0  }
0xcd: {  	s24 =	rddreg [dreg:$0x11];
	[sflag:s14] =	ssyncadd.s32 $0xFFFFD800  }
0xce: {  	[hbm4b:s24+s3] =	stream.linear.scatter [tilespmem:s9], [sflag:$0x4], $0x2800, $0x38;
	[tilespmem:$0x1C9E8] =	vst v63  }
0xcf: {  	_ =	swait.ge [sflag:s6], $0x140  }
0xd0: {  	[sflag:s6] =	ssyncset.done $0x0  }
0xd1: {  	[sflag:s6] =	ssyncadd.s32 $0xFFFFFEC0  }
0xd2: {  	_ =	swait.ge [sflag:s18], $0x2800  }
0xd3: {  	[sflag:s18] =	ssyncset.done $0x0  }
0xd4: {  	[sflag:s18] =	ssyncadd.s32 $0xFFFFD800  }
0xd5: {  	[tilespmem:s17], [sflag:$0x3] =	stream.indirect.gather [hbm4b:s4+s0], $0x20, s16, s0, $0xb8;
	[tilespmem:$0x1C9E8] =	vst v63  }
0xd6: {  	_ =	swait.ge [sflag:s14], $0x2800  }
0xd7: {  	[sflag:s14] =	ssyncset.done $0x0  }
0xd8: {  	s21 =	simm.s32 $0x151E8;
	s25 =	rddreg [dreg:$0x12];
	[sflag:s14] =	ssyncadd.s32 $0xFFFFD800  }
0xd9: {  	[hbm4b:s25+s3] =	stream.linear.scatter [tilespmem:s21], [sflag:$0x4], $0x2800, $0x38;
	[tilespmem:$0x1C9E8] =	vst v63  }
0xda: {  	_ =	swait.ge [sflag:s14], $0x2800  }
0xdb: {  	[sflag:s14] =	ssyncset.done $0x0  }
0xdc: {  	s28 =	rddreg [dreg:$0x13];
	[sflag:s14] =	ssyncadd.s32 $0xFFFFD800  }
0xdd: {  	[hbm4b:s28+s3] =	stream.linear.scatter [tilespmem:s15], [sflag:$0x4], $0x2800, $0x38;
	[tilespmem:$0x1C9E8] =	vst v63  }
0xde: {  	_ =	swait.ge [sflag:s14], $0x2800  }
0xdf: {  	[sflag:s14] =	ssyncset.done $0x0  }
0xe0: {  	s29 =	rddreg [dreg:$0x14];
	[sflag:s14] =	ssyncadd.s32 $0xFFFFD800  }
0xe1: {  	[hbm4b:s29+s3] =	stream.linear.scatter [tilespmem:s17], [sflag:$0x4], $0x2800, $0x38;
	[tilespmem:$0x1C9E8] =	vst v63  }
0xe2: {  	_ =	swait.ge [sflag:s18], $0x2800  }
0xe3: {  	[sflag:s18] =	ssyncset.done $0x0  }
0xe4: {  	[sflag:s18] =	ssyncadd.s32 $0xFFFFD800  }
0xe5: {  	_ =	swait.ge [sflag:s18], $0x2800  }
0xe6: {  	[sflag:s18] =	ssyncset.done $0x0  }
0xe7: {  	[sflag:s18] =	ssyncadd.s32 $0xFFFFD800  }
0xe8: {  	_ =	swait.ge [sflag:s18], $0x2800  }
0xe9: {  	[sflag:s18] =	ssyncset.done $0x0  }
0xea: {  	[sflag:s18] =	ssyncadd.s32 $0xFFFFD800  }
0xeb: {  	_ =	swait.ge [sflag:s18], $0x2800  }
0xec: {  	[sflag:s18] =	ssyncset.done $0x0  }
0xed: {  	[sflag:s18] =	ssyncadd.s32 $0xFFFFD800  }
0xee: {  	_ =	swait.ge [sflag:s18], $0x2800  }
0xef: {  	s20 =	sadd.s32 $0x1, s20;
	s30 =	rddreg [dreg:$0x15]  }
0xf0: {  	p1 =	sne.s32 s20, s30  }
.Ltmp1:
0xf1: {  	_ = 	snop;
	(pc) =	sbr.rel @p1 .LBB2_1-.Ltmp1, $3  }
0xf2: {  	_ =	sdelay $0x1  }
0xf3: {  	[sflag:s18] =	ssyncset.done $0x0  }
0xf4: {  	[sflag:s18] =	ssyncadd.s32 $0xFFFFD800  }
0xf5: {  	_ =	sfence.sel $0x180000  }
0xf6: {  	[bflag:$0x0] =	sbarrier.arrive $0xFFFF  }
0xf7: {  	_ =	strace $0x90000047  }
0xf8: {  	s0 =	stileid.u32;
	[bflag:$0x2] =	sbarrier.arrive $0xFFFF  }
0xf9: {  	p0 =	sne.s32 s0, $0x0;
	s0 =	rddreg [dreg:$0x4]  }
0xfa: {  	s0 =	sadd.s32 @!p0 $0x100000, s0  }
0xfb: {  	[sflag:s0] =	ssyncadd.tile.s32 @!p0 $0x1;
	_ =	shalt  }
.Lfunc_end2:
_tile_overlayer_lowered:
.L_overlay_start_2:
0xfc: {  	(tag) =	ssettag $0x2  }
0xfd: {  	s0 =	rddreg [dreg:$0x0];
	s2 =	stileid.u32  }
0xfe: {  	s1 =	rddreg [dreg:$0x1];
	p0 =	sne.s32 s2, $0x0  }
0xff: {  	s3 =	rddreg [dreg:$0x2];
	[bflag:$0x3] =	sbarrier.arrive $0xFFFF;
	s2 =	simm.s32 @!p0 $0x1C05  }
0x100: {  	[timem:s3], [sflag:s2] =	dma.local @!p0 [hbm:s0], s1  }
0x101: {  	s0 =	simm.s32 @!p0 $0x5  }
0x102: {  	_ =	swait.ge @!p0 [sflag:s0], s1  }
0x103: {  	s1 =	ssub.s32 @!p0 $0x0, s1;
	[sflag:s0] =	ssyncset.done @!p0 $0x0  }
0x104: {  	[sflag:s0] =	ssyncadd.s32 @!p0 s1  }
0x105: {  	[bflag:$0x3] =	sbarrier.arrive $0xFFFF  }
0x106: {  	_ =	shalt  }

// kernel: sparse-core-data-format-call.cloned.1.call-start
scs
called_computation_lowered:
.L_overlay_start_0:
0x0: {  	s2 =	sld [smem:$0x3FD9]  }
0x1: {  	s3 =	sld [smem:$0x3FFE];
	_ =	sdelay $0x1  }
0x2: {  	s1 =	srdreg.scid  }
0x3: {  	s0 =	sand.u32 $0x1, s1  }
0x4: {  	s18 =	sshll.u32 s0, $0xA;
	s2 =	sadd.s32 s3, s2  }
0x5: {  	s2 =	sadd.s32 s2, s18  }
0x6: {  	[smem:$0x3FC5] =	sst s2  }
0x7: {  	_ = 	snop  }
0x8: {  	s2 =	sld [smem:$0x3FD0];
	(tm) =	ssettm $0x1  }
0x9: {  	s19 =	sld [smem:$0x3FFB];
	_ =	sdelay $0x3  }
0xa: {  	_ =	strace s19  }
0xb: {  	s3 =	sld [smem:$0x3FFC];
	_ =	sdelay $0x3  }
0xc: {  	_ =	strace s3  }
0xd: {  	s3 =	sld [smem:$0x3FFD];
	_ =	sdelay $0x3  }
0xe: {  	_ =	strace s3  }
0xf: {  	_ =	strace $0x8FFFFFFF  }
0x10: {  	s20 =	sld [smem:$0x3FDB];
	_ =	sdelay $0x1  }
0x11: {  	s4 =	simm.s32 $_scs_section_size  }
0x12: {  	s5 =	simm.s32 $_size__tile_overlayer_lowered;
	s6 =	simm.s32 $_tile_overlayer_lowered  }
0x13: {  	s23 =	simm.s32 $0x1BFF;
	s22 =	sshll.u32 s6, $0x1;
	s3 =	sadd.s32 s4, s20  }
0x14: {  	s7 =	simm.s32 $0x0;
	s21 =	sshll.u32 s5, $0x1;
	s5 =	sadd.s32 s22, s3  }
0x15: {  	[timem:s7], [sflag:s23] =	dma.local [hbm:s5], s21  }
0x16: {  	_ =	swait.ge [sflag:s23], s21  }
0x17: {  	s4 =	ssub.s32 $0x0, s21;
	[sflag:s23] =	ssyncset.done $0x0  }
0x18: {  	[sflag:s23] =	ssyncadd.s32 s4;
	_ =	sdelay $0x1  }
0x19: {  	s24 =	simm.s32 $0x1B8B  }
0x1a: {  	_ =	swait.ge [sflag:s24], $0x1  }
0x1b: {  	[sflag:s24] =	ssyncset.done $0x0  }
0x1c: {  	s26 =	simm.s32 $0x1B8E;
	s25 =	sld [smem:$0x3FFE];
	[sflag:s24] =	ssyncadd.s32 $0xFFFFFFFF  }
0x1d: {  	s27 =	simm.s32 $execute0_lowered;
	[smem:$0x3FD2] =	sst s26  }
0x1e: {  	s5 =	sshll.u32 s27, $0x1;
	_ =	strace $0x80000049;
	[dreg:$0x1] =	wrdreg $0xFFFFFFFF  }
0x1f: {  	s28 =	simm.s32 $_size_execute0_lowered;
	s3 =	sadd.s32 s3, s5;
	[dreg:$0x0] =	wrdreg $0x0  }
0x20: {  	s5 =	sshll.u32 s28, $0x1;
	[dreg:$0x2] =	wrdreg s3  }
0x21: {  	[dreg:$0x3] =	wrdreg s5  }
0x22: {  	[dreg:$0x4] =	wrdreg $0xC0  }
0x23: {  	_ =	task [dreg:s7], $0x5FFFF  }
0x24: {  	[dreg:$0x1] =	wrdreg $0xFFFFFFFF  }
0x25: {  	[dreg:$0x0] =	wrdreg $0x60  }
0x26: {  	[dreg:$0x2] =	wrdreg s25  }
0x27: {  	[dreg:$0x3] =	wrdreg s2  }
0x28: {  	[dreg:$0x4] =	wrdreg $0x9  }
0x29: {  	_ =	task.clear_ibuf [dreg:s7], $0x5FFFF;
	_ =	strace $0x90000049  }
0x2a: {  	s29 =	simm.s32 $0x9;
	_ =	strace $0x8000004B  }
0x2b: {  	_ =	swait.ge [sflag:s29], $0x1  }
0x2c: {  	[sflag:s29] =	ssyncadd.s32 $0xFFFFFFFF  }
0x2d: {  	_ =	strace $0x9000004B  }
0x2e: {  	_ =	sfence  }
0x2f: {  	s30 =	sld [smem:$0x0];
	_ =	sdelay $0x2  }
0x30: {  	s31 =	sshll.u32 s1, $0xD;
	s1 =	sshrl.u32 s1, $0x2  }
0x31: {  	s3 =	sand.u32 $0x4000, s31;
	s1 =	sadd.s32 s1, s30  }
0x32: {  	s0 =	sor.u32 s3, s0;
	s1 =	sshll.u32 s1, $0x11  }
0x33: {  	s0 =	sor.u32 s1, s0  }
0x34: {  	s0 =	sadd.s32 $0x8F2B, s0  }
0x35: {  	[sflag:s0] =	ssyncadd.remote.s32 $0x1  }
0x36: {  	_ =	sfence.sel $0xFFFF  }
0x37: {  	[dreg:$0x0] =	wrdreg $0xFFFFFFFF;
	(pc) =	sbr.abs _section_cstart, $3  }
0x38: {  	[dreg:$0x1] =	wrdreg $0xFFFFFFFF  }
0x39: {  	_ =	task.clear_ibuf [dreg:s7], $0x2FFFF;
	_ =	strace $0x9FFFFFFF  }
0x3a: {  	(tm) =	ssettm $0x7FFFFFFF  }
0x3b: {  	_ =	shalt  }
tec
execute0_lowered:
.L_overlay_start_1:
0x0: {  	(tag) =	ssettag $0x1  }
0x1: {  	s0 =	srdreg.scid  }
0x2: {  	s1 =	sshll.u32 s0, $0x4  }
0x3: {  	s0 =	stileid.u32;
	s1 =	sand.u32 $0x10, s1  }
0x4: {  	s1 =	sor.u32 s0, s1  }
0x5: {  	s6 =	rddreg [dreg:$0x0];
	s4 =	simm.s32 $0x1;
	s2 =	sshll.u32 s1, $0x7  }
0x6: {  	s7 =	simm.s32 $0x2;
	s12 =	simm.s32 $0x0;
	s1 =	ssub.s32 $0x1000, s2  }
0x7: {  	s8 =	simm.s32 $0x8000;
	s13 =	simm.s32 $0x0;
	s3 =	sand.u32 $0xF80, s1  }
0x8: {  	s9 =	simm.s32 $0x0;
	s5 =	sshrl.u32 s1, $0xC;
	p0 =	sne.s32 s3, $0x0  }
.Ltmp0:
0x9: {  	s1 =	rddreg [dreg:$0x2];
	s4 =	simm.s32 @!p0 $0x0;
	(pc) =	sbr.rel .LBB1_1-.Ltmp0, $4  }
0xa: {  	s11 =	simm.s32 $0x0;
	s3 =	rddreg [dreg:$0x1];
	s5 =	sadd.s32 s4, s5  }
0xb: {  	_ =	strace $0x8000004A;
	s4 =	simm.s32 $0x1;
	s5 =	smul.u32 $0xC8, s5  }
0xc: {  	s6 =	sadd.s32 $0xA00, s6;
	s10 =	smov.u32 s2;
	[sflag:s4] =	ssyncpa.u1 $0x0  }
0xd: {  	p0 =	por $0x0, $0x0;
	[sflag:s7] =	ssyncpa.u1 $0x0;
	s7 =	sor.u32 $0x1, s5  }
.LBB1_4:
0xe: {  	s16 =	sshll.u32 s13, $0x3;
	s17 =	sand.u32 $0x78, s13  }
0xf: {  	s30 =	sand.u32 $0x3E00, s13;
	s12 =	sshll.u32 s12, $0xE;
	s16 =	sand.u32 $0xC00, s16  }
0x10: {  	s31 =	sand.u32 $0x7, s13;
	s16 =	sor.u32 s17, s16;
	s17 =	sadd.s32 s3, s30  }
0x11: {  	s13 =	sshll.u32 s31, $0x12;
	s16 =	sshrl.u32 s16, $0x3;
	s12 =	sadd.s32 s12, s17  }
0x12: {  	[tilespmem:s15+$0x0 ss:$0x81] =	vst.msk $0xffff, v0;
	s13 =	sor.u32 $0x400, s13;
	s12 =	sadd.s32 s16, s12  }
0x13: {  	[hbm4b:s12+s13] =	stream.strided.scatter [tilespmem:s14], [sflag:$0x2], $0x1000, s8, s13, $0x20;
	[tilespmem:$0x4040] =	vst v63  }
.LBB1_5:
0x14: {  	s14 =	sadd.s32 $0x1, s9  }
0x15: {  	s12 =	sadd.s32 $0x1000, s10;
	s16 =	smov.u32 s10;
	p2 =	sgt.s32 s14, $0xC7  }
0x16: {  	s16 =	smov.u32 @p2 s12  }
0x17: {  	s14 =	simm.s32 @p2 $0x0;
	p2 =	sgt.s32 s16, $0xFFF  }
0x18: {  	s16 =	smov.u32 @p2 s2;
	p2 =	sne.s32 s11, s7  }
.Ltmp1:
0x19: {  	p1 =	slt.u32 s11, $0x2;
	(pc) =	sbr.rel @!p2 .LBB1_6-.Ltmp1, $4  }
0x1a: {  	s15 =	simm.s32 @!p1 $0x2  }
0x1b: {  	s13 =	smov.u32 s10;
	p0 =	por !p0, !p0;
	_ =	swait.ge @!p1 [sflag:s15], $0x1000  }
0x1c: {  	s12 =	smov.u32 s9;
	[sflag:s15] =	ssyncset.done @!p1 $0x0;
	s9 =	smov.u32 s14  }
0x1d: {  	s11 =	sadd.s32 $0x1, s11;
	[sflag:s15] =	ssyncadd.s32 @!p1 $0xFFFFF000;
	s10 =	smov.u32 s16  }
.LBB1_1:
0x1e: {  	p1 =	sge.u32 s11, s5  }
0x1f: {  	s14 =	sand.u32 @!p1 $0x1FFFFFF, s9  }
0x20: {  	s15 =	smulhi.u32 @!p1 $0x147AE15, s14;
	_ =	sdelay $0x1  }
0x21: {  	s15 =	smul.u32 @!p1 $0xC8, s15  }
0x22: {  	s16 =	sxor.u32 @!p1 $0xFFFFFFFF, s11;
	s17 =	smul.u32 @!p1 $0xC80, s10  }
0x23: {  	s31 =	sadd.s32 $0xFFFFFFFF, s11;
	s16 =	sshll.u32 @!p1 s16, $0xC;
	s14 =	ssub.s32 @!p1 s14, s15  }
0x24: {  	s15 =	sand.u32 @!p1 $0x1000, s16;
	s16 =	sadd.s32 @!p1 s6, s17;
	s14 =	sshll.u32 @!p1 s14, $0x4  }
0x25: {  	s17 =	simm.s32 @!p1 $0x6400;
	s14 =	sadd.s32 @!p1 s14, s16;
	s16 =	simm.s32 @!p1 $0x20  }
0x26: {  	[tilespmem:s15], [sflag:$0x1] =	stream.strided.gather @!p1 [hbm4b:s14+s16], $0x1000, s17, s16, $0x38;
	[tilespmem:$0x4040] =	vst v63  }
0x27: {  	p1 =	sge.u32 s31, s5  }
.Ltmp2:
0x28: {  	_ = 	snop;
	(pc) =	sbr.rel @p1 .LBB1_5-.Ltmp2, $1  }
0x29: {  	_ =	sdelay $0x3  }
0x2a: {  	s14 =	simm.s32 $0x1  }
0x2b: {  	_ =	swait.ge [sflag:s4], $0x1000;
	s14 =	simm.s32 @!p0 $0x0  }
0x2c: {  	[sflag:s4] =	ssyncset.done $0x0;
	s15 =	sshll.u32 s14, $0xC  }
0x2d: {  	[sflag:s4] =	ssyncadd.s32 $0xFFFFF000;
	s18 =	sor.u32 $0x10, s15  }
0x2e: {  	s14 =	smul.u32 $0x4080, s14;
	v1 =	vld [tilespmem:s18+$0x0]  }
0x2f: {  	s30 =	sand.u32 $0x1, s11;
	v0 =	vld [tilespmem:s18+$0xFFFFFFF0]  }
0x30: {  	s15 =	smul.u32 $0x4080, s30;
	s14 =	sshrl.u32 s14, $0x2  }
0x31: {  	s16 =	sor.u32 $0x2000, s14  }
0x32: {  	s31 =	sshrl.u32 s15, $0x2;
	s15 =	sadd.s32 $0x0, s16  }
0x33: {  	s17 =	simm.s32 $0x4;
	s18 =	sadd.s32 $0x20, s18;
	s14 =	sor.u32 $0x2000, s31;
	[tilespmem:s15+$0x810 ss:$0x81] =	vst.msk $0xffff, v1  }
.LBB1_3:
0x34: {  	v1 =	vld [tilespmem:s18+$0x0];
	p1 =	sne.s32 s17, $0x1FC;
	[tilespmem:s15+$0x0 ss:$0x81] =	vst.msk $0xffff, v0;
	s15 =	smov.u32 s17;
	s17 =	sadd.s32 $0x4, s17  }
.Ltmp3:
0x35: {  	v0 =	vld [tilespmem:s18+$0xFFFFFFF0];
	(pc) =	sbr.rel @p1 .LBB1_3-.Ltmp3, $4  }
0x36: {  	_ = 	snop  }
0x37: {  	s15 =	sshra.s32 s15, $0x2  }
0x38: {  	s15 =	sadd.s32 s15, s16  }
0x39: {  	s18 =	sadd.s32 $0x20, s18;
	[tilespmem:s15+$0x810 ss:$0x81] =	vst.msk $0xffff, v1  }
.Ltmp4:
0x3a: {  	_ = 	snop;
	(pc) =	sbr.rel .LBB1_4-.Ltmp4, $1  }
0x3b: {  	_ =	sdelay $0x3  }
.LBB1_6:
0x3c: {  	_ =	sfence.sel $0x180000  }
0x3d: {  	s2 =	simm.s32 $0x1;
	[bflag:$0x0] =	sbarrier.arrive $0xFFFF  }
0x3e: {  	s31 =	simm.s32 $0x2;
	[sflag:s2] =	ssyncpa.u1 $0x1  }
0x3f: {  	[sflag:s31] =	ssyncpa.u1 $0x1  }
0x40: {  	p0 =	sne.s32 s0, $0x0;
	_ =	strace $0x9000004A  }
0x41: {  	s0 =	sadd.s32 @!p0 $0x100000, s1;
	[bflag:$0x2] =	sbarrier.arrive $0xFFFF  }
0x42: {  	[sflag:s0] =	ssyncadd.tile.s32 @!p0 $0x1;
	_ =	shalt  }
.Lfunc_end1:
_tile_overlayer_lowered:
.L_overlay_start_2:
0x43: {  	(tag) =	ssettag $0x2  }
0x44: {  	s0 =	rddreg [dreg:$0x0];
	s2 =	stileid.u32  }
0x45: {  	s1 =	rddreg [dreg:$0x1];
	p0 =	sne.s32 s2, $0x0  }
0x46: {  	s3 =	rddreg [dreg:$0x2];
	[bflag:$0x3] =	sbarrier.arrive $0xFFFF;
	s2 =	simm.s32 @!p0 $0x1C01  }
0x47: {  	[timem:s3], [sflag:s2] =	dma.local @!p0 [hbm:s0], s1  }
0x48: {  	s0 =	simm.s32 @!p0 $0x1  }
0x49: {  	_ =	swait.ge @!p0 [sflag:s0], s1  }
0x4a: {  	s1 =	ssub.s32 @!p0 $0x0, s1;
	[sflag:s0] =	ssyncset.done @!p0 $0x0  }
0x4b: {  	[sflag:s0] =	ssyncadd.s32 @!p0 s1  }
0x4c: {  	[bflag:$0x3] =	sbarrier.arrive $0xFFFF  }
0x4d: {  	_ =	shalt  }

</sc_bundles>
